<compile_context>
chip_gen: v7x
topology: tpu7x:2x2x1
jax: 0.10.2.dev20260603
libtpu: 0.0.44.dev20260713+nightly
codegen_flags: <defaults>
</compile_context>

<pallas_src>
import jax
import jax.numpy as jnp
from jax import lax
from jax.experimental import pallas as pl
from jax.experimental.pallas import tpu as pltpu
from jax.experimental.pallas import tpu_sc as plsc

N = 1_000_000
H = 32
NW = 32
CW = 1024
L = 16

BT = 65536
S = 6 * BT
NCH = S // CW
MAXK = NCH // NW
NT = N - S
GRID_T = (NT + BT - 1) // BT


def _sc_body(ap_hbm, hist_hbm, delay_hbm, out_hbm,
             slab0, ap0, d0, o0, slab1, ap1, d1, o1,
             isem0, isem1, osem0, osem1):
    c = lax.axis_index("c")
    s = lax.axis_index("s")
    wid = s * 2 + c
    lane = lax.iota(jnp.int32, L)
    bufs = [(slab0, ap0, d0, o0, isem0, osem0),
            (slab1, ap1, d1, o1, isem1, osem1)]

    def base_of(k):
        return pl.multiple_of((wid + k * NW) * CW, 128)

    def fire(k):
        slab, ap_v, d_v, _, isem, _ = bufs[k % 2]
        base = base_of(k)
        return [
            pltpu.async_copy(delay_hbm.at[pl.ds(base, CW)], d_v, isem),
            pltpu.async_copy(ap_hbm.at[pl.ds(base, CW)], ap_v, isem),
            pltpu.async_copy(hist_hbm.at[:, pl.ds(base, CW)], slab, isem),
        ]

    in_cps = {0: fire(0)}
    out_cps = {}
    for k in range(MAXK):
        slab, ap_v, d_v, o_v, _, osem = bufs[k % 2]
        if k + 1 < MAXK:
            in_cps[k + 1] = fire(k + 1)
        for cp in in_cps.pop(k):
            cp.wait()
        if k - 2 in out_cps:
            out_cps.pop(k - 2).wait()

        def body(j, carry, d_v=d_v, ap_v=ap_v, o_v=o_v, slab=slab):
            off = j * L
            d = d_v[pl.ds(off, L)]
            a = ap_v[pl.ds(off, L)]
            ridx = jnp.maximum(d - 1, 0)
            g = plsc.load_gather(slab, [ridx, off + lane])
            o_v[pl.ds(off, L)] = jnp.where(d == 0, a, g)
            return carry

        lax.fori_loop(0, CW // L, body, 0)

        out_cps[k] = pltpu.async_copy(
            o_v, out_hbm.at[pl.ds(base_of(k), CW)], osem)

    for k in sorted(out_cps):
        out_cps.pop(k).wait()


def _tc_body(ap_ref, delay_ref, hist_ref, out_ref):
    d = delay_ref[...]
    hrow = lax.broadcasted_iota(jnp.int32, (H, BT), 0)
    cmp = hrow == (d - 1)[None, :]
    masked = jnp.where(cmp, hist_ref[...], 0.0)
    red = jnp.sum(masked, axis=0)
    out_ref[...] = jnp.where(d == 0, ap_ref[...], red)


@jax.jit
def _axon(ap, hist, delay):
    mesh = plsc.VectorSubcoreMesh(core_axis_name="c", subcore_axis_name="s")
    sc_out = pl.kernel(
        _sc_body,
        out_type=jax.ShapeDtypeStruct((N,), jnp.float32),
        mesh=mesh,
        compiler_params=pltpu.CompilerParams(needs_layout_passes=False),
        scratch_types=[
            pltpu.VMEM((H, CW), jnp.float32),
            pltpu.VMEM((CW,), jnp.float32),
            pltpu.VMEM((CW,), jnp.int32),
            pltpu.VMEM((CW,), jnp.float32),
            pltpu.VMEM((H, CW), jnp.float32),
            pltpu.VMEM((CW,), jnp.float32),
            pltpu.VMEM((CW,), jnp.int32),
            pltpu.VMEM((CW,), jnp.float32),
            pltpu.SemaphoreType.DMA,
            pltpu.SemaphoreType.DMA,
            pltpu.SemaphoreType.DMA,
            pltpu.SemaphoreType.DMA,
        ],
    )(ap, hist, delay)

    off = S // BT
    tc_out = pl.pallas_call(
        _tc_body,
        out_shape=jax.ShapeDtypeStruct((NT,), jnp.float32),
        grid=(GRID_T,),
        in_specs=[
            pl.BlockSpec((BT,), lambda i: (i + off,)),
            pl.BlockSpec((BT,), lambda i: (i + off,)),
            pl.BlockSpec((H, BT), lambda i: (0, i + off)),
        ],
        out_specs=pl.BlockSpec((BT,), lambda i: (i,)),
    )(ap, delay, hist)

    return lax.dynamic_update_slice(sc_out, tc_out, (S,))


def kernel(action_potential, history, delay):
    return _axon(action_potential, history, delay.astype(jnp.int32))

# --- scband reference (transcript-rebuilt; emitter-appended) ---
"""Pipeline reference for scband-axon-12841952215105 (READ-ONLY COPY).

The authoritative reference and input builder live on the scoring server;
editing this copy changes nothing except your own understanding.
"""

import jax, jax.numpy as jnp
import numpy as np

N = 1_000_000
H = 32  # history_length = max_delay + 1


def setup_inputs(seed: int = 0) -> dict:
    key = jax.random.key(seed)
    k1, k2, k3 = jax.random.split(key, 3)
    # incoming action potentials (spike-like activations)
    action_potential = jax.random.uniform(k1, (N,), dtype=jnp.float32)
    # persistent ring buffer of past action potentials: [H, N]
    history = jax.random.uniform(k2, (H, N), dtype=jnp.float32)
    # per-neuron integer delay in [0, H) timesteps (delay // dt, dt=1.0)
    delay = jax.random.randint(k3, (N,), 0, H, dtype=jnp.int64)
    return {"action_potential": action_potential, "history": history, "delay": delay}


def reference(action_potential, history, delay):
    # Axon.forward:
    # 1) _update_action_potential_history: push newest AP, drop oldest
    new_history = jnp.concatenate([action_potential[None, :], history[:-1]], axis=0)
    # 2) _get_delayed_action_potential: per-neuron gather along time axis
    #    (torch.gather(history, dim=0, index=delay) with elementwise delay)
    delayed = jnp.take_along_axis(new_history, delay[None, :], axis=0)[0]
    # 3) response_function (default ResponseFunction() == identity passthrough)
    neurotransmitter = delayed
    return neurotransmitter


if False:  # reference __main__ guard neutralized (emitter)
    out = reference(**setup_inputs())
    print(out.shape, out.dtype)

if __name__ == "__main__":
    import jax
    _d = setup_inputs()
    print(jax.jit(kernel)(*tuple(_d.values())))

</pallas_src>

<mosaic_0001>
#map = affine_map<(d0, d1) -> (0)>
#map1 = affine_map<(d0, d1) -> (0, 0)>
module attributes {stable_mosaic.version = 14 : i64} {
  func.func @_sc_body(%arg0: i32, %arg1: i32, %arg2: memref<1000000xf32, #tpu.memory_space<hbm>>, %arg3: memref<32x1000000xf32, #tpu.memory_space<hbm>>, %arg4: memref<1000000xi32, #tpu.memory_space<hbm>>, %arg5: memref<1000000xf32, #tpu.memory_space<hbm>>, %arg6: memref<32x1024xf32, #tpu.memory_space<vmem>>, %arg7: memref<1024xf32, #tpu.memory_space<vmem>>, %arg8: memref<1024xi32, #tpu.memory_space<vmem>>, %arg9: memref<1024xf32, #tpu.memory_space<vmem>>, %arg10: memref<32x1024xf32, #tpu.memory_space<vmem>>, %arg11: memref<1024xf32, #tpu.memory_space<vmem>>, %arg12: memref<1024xi32, #tpu.memory_space<vmem>>, %arg13: memref<1024xf32, #tpu.memory_space<vmem>>, %arg14: memref<!tpu.dma_semaphore, #tpu.memory_space<semaphore_mem>>, %arg15: memref<!tpu.dma_semaphore, #tpu.memory_space<semaphore_mem>>, %arg16: memref<!tpu.dma_semaphore, #tpu.memory_space<semaphore_mem>>, %arg17: memref<!tpu.dma_semaphore, #tpu.memory_space<semaphore_mem>>) attributes {dimension_semantics = [#tpu.dimension_semantics<core_parallel>, #tpu.dimension_semantics<subcore_parallel>], iteration_bounds = array<i64: 2, 16>, scalar_prefetch = 0 : i64, scratch_operands = 12 : i64, tpu.core_type = #tpu.core_type<sc_vector_subcore>, window_params = [{transform_indices = #map}, {transform_indices = #map1}, {transform_indices = #map}, {transform_indices = #map}]} {
    %mul3A = arith.constant 2 : i32
    %mul3A_0 = arith.muli %arg1, %mul3A : i32
    %add3A = arith.addi %mul3A_0, %arg0 : i32
    %iota3A = tpu.iota {dimensions = array<i32: 0>} : vector<16xi32>
    %add3A_1 = arith.constant 0 : i32
    %add3A_2 = arith.addi %add3A, %add3A_1 : i32
    %mul3A_3 = arith.constant 1024 : i32
    %mul3A_4 = arith.muli %add3A_2, %mul3A_3 : i32
    %multiple_of3A = tpu.assume_multiple %mul3A_4, 128 : i32
    %dma_start3A = tpu.memref_slice %arg4[%multiple_of3A] : memref<1000000xi32, #tpu.memory_space<hbm>> -> memref<1024xi32, #tpu.memory_space<hbm>>
    %dma_start3A_5 = tpu.memref_slice %arg4[%multiple_of3A] : memref<1000000xi32, #tpu.memory_space<hbm>> -> memref<1024xi32, #tpu.memory_space<hbm>>
    tpu.enqueue_dma source(%dma_start3A_5 : memref<1024xi32, #tpu.memory_space<hbm>>) target(%arg8 : memref<1024xi32, #tpu.memory_space<vmem>>) target_semaphore(%arg14 : memref<!tpu.dma_semaphore, #tpu.memory_space<semaphore_mem>>)
    %dma_start3A_6 = tpu.memref_slice %arg2[%multiple_of3A] : memref<1000000xf32, #tpu.memory_space<hbm>> -> memref<1024xf32, #tpu.memory_space<hbm>>
    %dma_start3A_7 = tpu.memref_slice %arg2[%multiple_of3A] : memref<1000000xf32, #tpu.memory_space<hbm>> -> memref<1024xf32, #tpu.memory_space<hbm>>
    tpu.enqueue_dma source(%dma_start3A_7 : memref<1024xf32, #tpu.memory_space<hbm>>) target(%arg7 : memref<1024xf32, #tpu.memory_space<vmem>>) target_semaphore(%arg14 : memref<!tpu.dma_semaphore, #tpu.memory_space<semaphore_mem>>)
    %dma_start3A_8 = arith.constant 0 : i32
    %dma_start3A_9 = tpu.memref_slice %arg3[%dma_start3A_8, %multiple_of3A] : memref<32x1000000xf32, #tpu.memory_space<hbm>> -> memref<32x1024xf32, #tpu.memory_space<hbm>>
    %dma_start3A_10 = arith.constant 0 : i32
    %dma_start3A_11 = tpu.memref_slice %arg3[%dma_start3A_10, %multiple_of3A] : memref<32x1000000xf32, #tpu.memory_space<hbm>> -> memref<32x1024xf32, #tpu.memory_space<hbm>>
    tpu.enqueue_dma source(%dma_start3A_11 : memref<32x1024xf32, #tpu.memory_space<hbm>>) target(%arg6 : memref<32x1024xf32, #tpu.memory_space<vmem>>) target_semaphore(%arg14 : memref<!tpu.dma_semaphore, #tpu.memory_space<semaphore_mem>>)
    %add3A_12 = arith.constant 32 : i32
    %add3A_13 = arith.addi %add3A, %add3A_12 : i32
    %mul3A_14 = arith.constant 1024 : i32
    %mul3A_15 = arith.muli %add3A_13, %mul3A_14 : i32
    %multiple_of3A_16 = tpu.assume_multiple %mul3A_15, 128 : i32
    %dma_start3A_17 = tpu.memref_slice %arg4[%multiple_of3A_16] : memref<1000000xi32, #tpu.memory_space<hbm>> -> memref<1024xi32, #tpu.memory_space<hbm>>
    %dma_start3A_18 = tpu.memref_slice %arg4[%multiple_of3A_16] : memref<1000000xi32, #tpu.memory_space<hbm>> -> memref<1024xi32, #tpu.memory_space<hbm>>
    tpu.enqueue_dma source(%dma_start3A_18 : memref<1024xi32, #tpu.memory_space<hbm>>) target(%arg12 : memref<1024xi32, #tpu.memory_space<vmem>>) target_semaphore(%arg15 : memref<!tpu.dma_semaphore, #tpu.memory_space<semaphore_mem>>)
    %dma_start3A_19 = tpu.memref_slice %arg2[%multiple_of3A_16] : memref<1000000xf32, #tpu.memory_space<hbm>> -> memref<1024xf32, #tpu.memory_space<hbm>>
    %dma_start3A_20 = tpu.memref_slice %arg2[%multiple_of3A_16] : memref<1000000xf32, #tpu.memory_space<hbm>> -> memref<1024xf32, #tpu.memory_space<hbm>>
    tpu.enqueue_dma source(%dma_start3A_20 : memref<1024xf32, #tpu.memory_space<hbm>>) target(%arg11 : memref<1024xf32, #tpu.memory_space<vmem>>) target_semaphore(%arg15 : memref<!tpu.dma_semaphore, #tpu.memory_space<semaphore_mem>>)
    %dma_start3A_21 = arith.constant 0 : i32
    %dma_start3A_22 = tpu.memref_slice %arg3[%dma_start3A_21, %multiple_of3A_16] : memref<32x1000000xf32, #tpu.memory_space<hbm>> -> memref<32x1024xf32, #tpu.memory_space<hbm>>
    %dma_start3A_23 = arith.constant 0 : i32
    %dma_start3A_24 = tpu.memref_slice %arg3[%dma_start3A_23, %multiple_of3A_16] : memref<32x1000000xf32, #tpu.memory_space<hbm>> -> memref<32x1024xf32, #tpu.memory_space<hbm>>
    tpu.enqueue_dma source(%dma_start3A_24 : memref<32x1024xf32, #tpu.memory_space<hbm>>) target(%arg10 : memref<32x1024xf32, #tpu.memory_space<vmem>>) target_semaphore(%arg15 : memref<!tpu.dma_semaphore, #tpu.memory_space<semaphore_mem>>)
    %dma_wait3A = tpu.memref_slice %arg4[%multiple_of3A] : memref<1000000xi32, #tpu.memory_space<hbm>> -> memref<1024xi32, #tpu.memory_space<hbm>>
    %dma_wait3A_25 = tpu.memref_slice %arg4[%multiple_of3A] : memref<1000000xi32, #tpu.memory_space<hbm>> -> memref<1024xi32, #tpu.memory_space<hbm>>
    tpu.wait_dma2 semaphore(%arg14 : memref<!tpu.dma_semaphore, #tpu.memory_space<semaphore_mem>>) src(%dma_wait3A_25 : memref<1024xi32, #tpu.memory_space<hbm>>) dst(%arg8 : memref<1024xi32, #tpu.memory_space<vmem>>)
    %dma_wait3A_26 = tpu.memref_slice %arg2[%multiple_of3A] : memref<1000000xf32, #tpu.memory_space<hbm>> -> memref<1024xf32, #tpu.memory_space<hbm>>
    %dma_wait3A_27 = tpu.memref_slice %arg2[%multiple_of3A] : memref<1000000xf32, #tpu.memory_space<hbm>> -> memref<1024xf32, #tpu.memory_space<hbm>>
    tpu.wait_dma2 semaphore(%arg14 : memref<!tpu.dma_semaphore, #tpu.memory_space<semaphore_mem>>) src(%dma_wait3A_27 : memref<1024xf32, #tpu.memory_space<hbm>>) dst(%arg7 : memref<1024xf32, #tpu.memory_space<vmem>>)
    %dma_wait3A_28 = arith.constant 0 : i32
    %dma_wait3A_29 = tpu.memref_slice %arg3[%dma_wait3A_28, %multiple_of3A] : memref<32x1000000xf32, #tpu.memory_space<hbm>> -> memref<32x1024xf32, #tpu.memory_space<hbm>>
    %dma_wait3A_30 = arith.constant 0 : i32
    %dma_wait3A_31 = tpu.memref_slice %arg3[%dma_wait3A_30, %multiple_of3A] : memref<32x1000000xf32, #tpu.memory_space<hbm>> -> memref<32x1024xf32, #tpu.memory_space<hbm>>
    tpu.wait_dma2 semaphore(%arg14 : memref<!tpu.dma_semaphore, #tpu.memory_space<semaphore_mem>>) src(%dma_wait3A_31 : memref<32x1024xf32, #tpu.memory_space<hbm>>) dst(%arg6 : memref<32x1024xf32, #tpu.memory_space<vmem>>)
    %scan3A = arith.constant 0 : i32
    %scan3A_32 = arith.constant 0 : i32
    %scan3A_33 = arith.constant 64 : i32
    %scan3A_34 = arith.addi %scan3A_32, %scan3A_33 : i32
    %scan3A_35 = arith.constant 1 : i32
    scf.for %scan3A_429 = %scan3A_32 to %scan3A_34 step %scan3A_35  : i32 {
      %mul3A_430 = arith.constant 16 : i32
      %mul3A_431 = arith.muli %scan3A_429, %mul3A_430 : i32
      %get3A = arith.index_cast %mul3A_431 : i32 to index
      %get3A_432 = tpu.vector_load %arg8[%get3A] {strides = array<i32>} : memref<1024xi32, #tpu.memory_space<vmem>>, vector<16xi32>,
      %get3A_433 = arith.index_cast %mul3A_431 : i32 to index
      %get3A_434 = tpu.vector_load %arg7[%get3A_433] {strides = array<i32>} : memref<1024xf32, #tpu.memory_space<vmem>>, vector<16xf32>,
      %sub3A = arith.constant 1 : i32
      %sub3A_435 = vector.broadcast %sub3A : i32 to vector<16xi32>
      %sub3A_436 = arith.subi %get3A_432, %sub3A_435 : vector<16xi32>
      %max3A = arith.constant 0 : i32
      %max3A_437 = vector.broadcast %max3A : i32 to vector<16xi32>
      %max3A_438 = arith.maxsi %sub3A_436, %max3A_437 : vector<16xi32>
      %add3A_439 = vector.broadcast %mul3A_431 : i32 to vector<16xi32>
      %add3A_440 = arith.addi %add3A_439, %iota3A : vector<16xi32>
      %gather3A = tpu.vector_load_idx %arg6[%max3A_438, %add3A_440] : memref<32x1024xf32, #tpu.memory_space<vmem>>[vector<16xi32>, vector<16xi32>], vector<16xf32>,
      %eq3A = arith.constant 0 : i32
      %eq3A_441 = vector.broadcast %eq3A : i32 to vector<16xi32>
      %eq3A_442 = arith.cmpi eq, %get3A_432, %eq3A_441 : vector<16xi32>
      %select_n3A = arith.select %eq3A_442, %get3A_434, %gather3A : vector<16xi1>, vector<16xf32>
      %swap3A = arith.index_cast %mul3A_431 : i32 to index
      %swap3A_443 = tpu.vector_load %arg9[%swap3A] {strides = array<i32>} : memref<1024xf32, #tpu.memory_space<vmem>>, vector<16xf32>,
      tpu.vector_store %arg9[%swap3A], %select_n3A {strides = array<i32>} : memref<1024xf32, #tpu.memory_space<vmem>>, vector<16xf32>,
    }
    %scan3A_36 = arith.constant 64 : i32
    %add3A_37 = arith.constant 0 : i32
    %add3A_38 = arith.addi %add3A, %add3A_37 : i32
    %mul3A_39 = arith.constant 1024 : i32
    %mul3A_40 = arith.muli %add3A_38, %mul3A_39 : i32
    %multiple_of3A_41 = tpu.assume_multiple %mul3A_40, 128 : i32
    %dma_start3A_42 = tpu.memref_slice %arg5[%multiple_of3A_41] : memref<1000000xf32, #tpu.memory_space<hbm>> -> memref<1024xf32, #tpu.memory_space<hbm>>
    %dma_start3A_43 = tpu.memref_slice %arg5[%multiple_of3A_41] : memref<1000000xf32, #tpu.memory_space<hbm>> -> memref<1024xf32, #tpu.memory_space<hbm>>
    tpu.enqueue_dma source(%arg9 : memref<1024xf32, #tpu.memory_space<vmem>>) target(%dma_start3A_43 : memref<1024xf32, #tpu.memory_space<hbm>>) target_semaphore(%arg16 : memref<!tpu.dma_semaphore, #tpu.memory_space<semaphore_mem>>)
    %add3A_44 = arith.constant 64 : i32
    %add3A_45 = arith.addi %add3A, %add3A_44 : i32
    %mul3A_46 = arith.constant 1024 : i32
    %mul3A_47 = arith.muli %add3A_45, %mul3A_46 : i32
    %multiple_of3A_48 = tpu.assume_multiple %mul3A_47, 128 : i32
    %dma_start3A_49 = tpu.memref_slice %arg4[%multiple_of3A_48] : memref<1000000xi32, #tpu.memory_space<hbm>> -> memref<1024xi32, #tpu.memory_space<hbm>>
    %dma_start3A_50 = tpu.memref_slice %arg4[%multiple_of3A_48] : memref<1000000xi32, #tpu.memory_space<hbm>> -> memref<1024xi32, #tpu.memory_space<hbm>>
    tpu.enqueue_dma source(%dma_start3A_50 : memref<1024xi32, #tpu.memory_space<hbm>>) target(%arg8 : memref<1024xi32, #tpu.memory_space<vmem>>) target_semaphore(%arg14 : memref<!tpu.dma_semaphore, #tpu.memory_space<semaphore_mem>>)
    %dma_start3A_51 = tpu.memref_slice %arg2[%multiple_of3A_48] : memref<1000000xf32, #tpu.memory_space<hbm>> -> memref<1024xf32, #tpu.memory_space<hbm>>
    %dma_start3A_52 = tpu.memref_slice %arg2[%multiple_of3A_48] : memref<1000000xf32, #tpu.memory_space<hbm>> -> memref<1024xf32, #tpu.memory_space<hbm>>
    tpu.enqueue_dma source(%dma_start3A_52 : memref<1024xf32, #tpu.memory_space<hbm>>) target(%arg7 : memref<1024xf32, #tpu.memory_space<vmem>>) target_semaphore(%arg14 : memref<!tpu.dma_semaphore, #tpu.memory_space<semaphore_mem>>)
    %dma_start3A_53 = arith.constant 0 : i32
    %dma_start3A_54 = tpu.memref_slice %arg3[%dma_start3A_53, %multiple_of3A_48] : memref<32x1000000xf32, #tpu.memory_space<hbm>> -> memref<32x1024xf32, #tpu.memory_space<hbm>>
    %dma_start3A_55 = arith.constant 0 : i32
    %dma_start3A_56 = tpu.memref_slice %arg3[%dma_start3A_55, %multiple_of3A_48] : memref<32x1000000xf32, #tpu.memory_space<hbm>> -> memref<32x1024xf32, #tpu.memory_space<hbm>>
    tpu.enqueue_dma source(%dma_start3A_56 : memref<32x1024xf32, #tpu.memory_space<hbm>>) target(%arg6 : memref<32x1024xf32, #tpu.memory_space<vmem>>) target_semaphore(%arg14 : memref<!tpu.dma_semaphore, #tpu.memory_space<semaphore_mem>>)
    %dma_wait3A_57 = tpu.memref_slice %arg4[%multiple_of3A_16] : memref<1000000xi32, #tpu.memory_space<hbm>> -> memref<1024xi32, #tpu.memory_space<hbm>>
    %dma_wait3A_58 = tpu.memref_slice %arg4[%multiple_of3A_16] : memref<1000000xi32, #tpu.memory_space<hbm>> -> memref<1024xi32, #tpu.memory_space<hbm>>
    tpu.wait_dma2 semaphore(%arg15 : memref<!tpu.dma_semaphore, #tpu.memory_space<semaphore_mem>>) src(%dma_wait3A_58 : memref<1024xi32, #tpu.memory_space<hbm>>) dst(%arg12 : memref<1024xi32, #tpu.memory_space<vmem>>)
    %dma_wait3A_59 = tpu.memref_slice %arg2[%multiple_of3A_16] : memref<1000000xf32, #tpu.memory_space<hbm>> -> memref<1024xf32, #tpu.memory_space<hbm>>
    %dma_wait3A_60 = tpu.memref_slice %arg2[%multiple_of3A_16] : memref<1000000xf32, #tpu.memory_space<hbm>> -> memref<1024xf32, #tpu.memory_space<hbm>>
    tpu.wait_dma2 semaphore(%arg15 : memref<!tpu.dma_semaphore, #tpu.memory_space<semaphore_mem>>) src(%dma_wait3A_60 : memref<1024xf32, #tpu.memory_space<hbm>>) dst(%arg11 : memref<1024xf32, #tpu.memory_space<vmem>>)
    %dma_wait3A_61 = arith.constant 0 : i32
    %dma_wait3A_62 = tpu.memref_slice %arg3[%dma_wait3A_61, %multiple_of3A_16] : memref<32x1000000xf32, #tpu.memory_space<hbm>> -> memref<32x1024xf32, #tpu.memory_space<hbm>>
    %dma_wait3A_63 = arith.constant 0 : i32
    %dma_wait3A_64 = tpu.memref_slice %arg3[%dma_wait3A_63, %multiple_of3A_16] : memref<32x1000000xf32, #tpu.memory_space<hbm>> -> memref<32x1024xf32, #tpu.memory_space<hbm>>
    tpu.wait_dma2 semaphore(%arg15 : memref<!tpu.dma_semaphore, #tpu.memory_space<semaphore_mem>>) src(%dma_wait3A_64 : memref<32x1024xf32, #tpu.memory_space<hbm>>) dst(%arg10 : memref<32x1024xf32, #tpu.memory_space<vmem>>)
    %scan3A_65 = arith.constant 0 : i32
    %scan3A_66 = arith.constant 0 : i32
    %scan3A_67 = arith.constant 64 : i32
    %scan3A_68 = arith.addi %scan3A_66, %scan3A_67 : i32
    %scan3A_69 = arith.constant 1 : i32
    scf.for %scan3A_429 = %scan3A_66 to %scan3A_68 step %scan3A_69  : i32 {
      %mul3A_430 = arith.constant 16 : i32
      %mul3A_431 = arith.muli %scan3A_429, %mul3A_430 : i32
      %get3A = arith.index_cast %mul3A_431 : i32 to index
      %get3A_432 = tpu.vector_load %arg12[%get3A] {strides = array<i32>} : memref<1024xi32, #tpu.memory_space<vmem>>, vector<16xi32>,
      %get3A_433 = arith.index_cast %mul3A_431 : i32 to index
      %get3A_434 = tpu.vector_load %arg11[%get3A_433] {strides = array<i32>} : memref<1024xf32, #tpu.memory_space<vmem>>, vector<16xf32>,
      %sub3A = arith.constant 1 : i32
      %sub3A_435 = vector.broadcast %sub3A : i32 to vector<16xi32>
      %sub3A_436 = arith.subi %get3A_432, %sub3A_435 : vector<16xi32>
      %max3A = arith.constant 0 : i32
      %max3A_437 = vector.broadcast %max3A : i32 to vector<16xi32>
      %max3A_438 = arith.maxsi %sub3A_436, %max3A_437 : vector<16xi32>
      %add3A_439 = vector.broadcast %mul3A_431 : i32 to vector<16xi32>
      %add3A_440 = arith.addi %add3A_439, %iota3A : vector<16xi32>
      %gather3A = tpu.vector_load_idx %arg10[%max3A_438, %add3A_440] : memref<32x1024xf32, #tpu.memory_space<vmem>>[vector<16xi32>, vector<16xi32>], vector<16xf32>,
      %eq3A = arith.constant 0 : i32
      %eq3A_441 = vector.broadcast %eq3A : i32 to vector<16xi32>
      %eq3A_442 = arith.cmpi eq, %get3A_432, %eq3A_441 : vector<16xi32>
      %select_n3A = arith.select %eq3A_442, %get3A_434, %gather3A : vector<16xi1>, vector<16xf32>
      %swap3A = arith.index_cast %mul3A_431 : i32 to index
      %swap3A_443 = tpu.vector_load %arg13[%swap3A] {strides = array<i32>} : memref<1024xf32, #tpu.memory_space<vmem>>, vector<16xf32>,
      tpu.vector_store %arg13[%swap3A], %select_n3A {strides = array<i32>} : memref<1024xf32, #tpu.memory_space<vmem>>, vector<16xf32>,
    }
    %scan3A_70 = arith.constant 64 : i32
    %add3A_71 = arith.constant 32 : i32
    %add3A_72 = arith.addi %add3A, %add3A_71 : i32
    %mul3A_73 = arith.constant 1024 : i32
    %mul3A_74 = arith.muli %add3A_72, %mul3A_73 : i32
    %multiple_of3A_75 = tpu.assume_multiple %mul3A_74, 128 : i32
    %dma_start3A_76 = tpu.memref_slice %arg5[%multiple_of3A_75] : memref<1000000xf32, #tpu.memory_space<hbm>> -> memref<1024xf32, #tpu.memory_space<hbm>>
    %dma_start3A_77 = tpu.memref_slice %arg5[%multiple_of3A_75] : memref<1000000xf32, #tpu.memory_space<hbm>> -> memref<1024xf32, #tpu.memory_space<hbm>>
    tpu.enqueue_dma source(%arg13 : memref<1024xf32, #tpu.memory_space<vmem>>) target(%dma_start3A_77 : memref<1024xf32, #tpu.memory_space<hbm>>) target_semaphore(%arg17 : memref<!tpu.dma_semaphore, #tpu.memory_space<semaphore_mem>>)
    %add3A_78 = arith.constant 96 : i32
    %add3A_79 = arith.addi %add3A, %add3A_78 : i32
    %mul3A_80 = arith.constant 1024 : i32
    %mul3A_81 = arith.muli %add3A_79, %mul3A_80 : i32
    %multiple_of3A_82 = tpu.assume_multiple %mul3A_81, 128 : i32
    %dma_start3A_83 = tpu.memref_slice %arg4[%multiple_of3A_82] : memref<1000000xi32, #tpu.memory_space<hbm>> -> memref<1024xi32, #tpu.memory_space<hbm>>
    %dma_start3A_84 = tpu.memref_slice %arg4[%multiple_of3A_82] : memref<1000000xi32, #tpu.memory_space<hbm>> -> memref<1024xi32, #tpu.memory_space<hbm>>
    tpu.enqueue_dma source(%dma_start3A_84 : memref<1024xi32, #tpu.memory_space<hbm>>) target(%arg12 : memref<1024xi32, #tpu.memory_space<vmem>>) target_semaphore(%arg15 : memref<!tpu.dma_semaphore, #tpu.memory_space<semaphore_mem>>)
    %dma_start3A_85 = tpu.memref_slice %arg2[%multiple_of3A_82] : memref<1000000xf32, #tpu.memory_space<hbm>> -> memref<1024xf32, #tpu.memory_space<hbm>>
    %dma_start3A_86 = tpu.memref_slice %arg2[%multiple_of3A_82] : memref<1000000xf32, #tpu.memory_space<hbm>> -> memref<1024xf32, #tpu.memory_space<hbm>>
    tpu.enqueue_dma source(%dma_start3A_86 : memref<1024xf32, #tpu.memory_space<hbm>>) target(%arg11 : memref<1024xf32, #tpu.memory_space<vmem>>) target_semaphore(%arg15 : memref<!tpu.dma_semaphore, #tpu.memory_space<semaphore_mem>>)
    %dma_start3A_87 = arith.constant 0 : i32
    %dma_start3A_88 = tpu.memref_slice %arg3[%dma_start3A_87, %multiple_of3A_82] : memref<32x1000000xf32, #tpu.memory_space<hbm>> -> memref<32x1024xf32, #tpu.memory_space<hbm>>
    %dma_start3A_89 = arith.constant 0 : i32
    %dma_start3A_90 = tpu.memref_slice %arg3[%dma_start3A_89, %multiple_of3A_82] : memref<32x1000000xf32, #tpu.memory_space<hbm>> -> memref<32x1024xf32, #tpu.memory_space<hbm>>
    tpu.enqueue_dma source(%dma_start3A_90 : memref<32x1024xf32, #tpu.memory_space<hbm>>) target(%arg10 : memref<32x1024xf32, #tpu.memory_space<vmem>>) target_semaphore(%arg15 : memref<!tpu.dma_semaphore, #tpu.memory_space<semaphore_mem>>)
    %dma_wait3A_91 = tpu.memref_slice %arg4[%multiple_of3A_48] : memref<1000000xi32, #tpu.memory_space<hbm>> -> memref<1024xi32, #tpu.memory_space<hbm>>
    %dma_wait3A_92 = tpu.memref_slice %arg4[%multiple_of3A_48] : memref<1000000xi32, #tpu.memory_space<hbm>> -> memref<1024xi32, #tpu.memory_space<hbm>>
    tpu.wait_dma2 semaphore(%arg14 : memref<!tpu.dma_semaphore, #tpu.memory_space<semaphore_mem>>) src(%dma_wait3A_92 : memref<1024xi32, #tpu.memory_space<hbm>>) dst(%arg8 : memref<1024xi32, #tpu.memory_space<vmem>>)
    %dma_wait3A_93 = tpu.memref_slice %arg2[%multiple_of3A_48] : memref<1000000xf32, #tpu.memory_space<hbm>> -> memref<1024xf32, #tpu.memory_space<hbm>>
    %dma_wait3A_94 = tpu.memref_slice %arg2[%multiple_of3A_48] : memref<1000000xf32, #tpu.memory_space<hbm>> -> memref<1024xf32, #tpu.memory_space<hbm>>
    tpu.wait_dma2 semaphore(%arg14 : memref<!tpu.dma_semaphore, #tpu.memory_space<semaphore_mem>>) src(%dma_wait3A_94 : memref<1024xf32, #tpu.memory_space<hbm>>) dst(%arg7 : memref<1024xf32, #tpu.memory_space<vmem>>)
    %dma_wait3A_95 = arith.constant 0 : i32
    %dma_wait3A_96 = tpu.memref_slice %arg3[%dma_wait3A_95, %multiple_of3A_48] : memref<32x1000000xf32, #tpu.memory_space<hbm>> -> memref<32x1024xf32, #tpu.memory_space<hbm>>
    %dma_wait3A_97 = arith.constant 0 : i32
    %dma_wait3A_98 = tpu.memref_slice %arg3[%dma_wait3A_97, %multiple_of3A_48] : memref<32x1000000xf32, #tpu.memory_space<hbm>> -> memref<32x1024xf32, #tpu.memory_space<hbm>>
    tpu.wait_dma2 semaphore(%arg14 : memref<!tpu.dma_semaphore, #tpu.memory_space<semaphore_mem>>) src(%dma_wait3A_98 : memref<32x1024xf32, #tpu.memory_space<hbm>>) dst(%arg6 : memref<32x1024xf32, #tpu.memory_space<vmem>>)
    %dma_wait3A_99 = tpu.memref_slice %arg5[%multiple_of3A_41] : memref<1000000xf32, #tpu.memory_space<hbm>> -> memref<1024xf32, #tpu.memory_space<hbm>>
    %dma_wait3A_100 = tpu.memref_slice %arg5[%multiple_of3A_41] : memref<1000000xf32, #tpu.memory_space<hbm>> -> memref<1024xf32, #tpu.memory_space<hbm>>
    tpu.wait_dma2 semaphore(%arg16 : memref<!tpu.dma_semaphore, #tpu.memory_space<semaphore_mem>>) src(%arg9 : memref<1024xf32, #tpu.memory_space<vmem>>) dst(%dma_wait3A_100 : memref<1024xf32, #tpu.memory_space<hbm>>)
    %scan3A_101 = arith.constant 0 : i32
    %scan3A_102 = arith.constant 0 : i32
    %scan3A_103 = arith.constant 64 : i32
    %scan3A_104 = arith.addi %scan3A_102, %scan3A_103 : i32
    %scan3A_105 = arith.constant 1 : i32
    scf.for %scan3A_429 = %scan3A_102 to %scan3A_104 step %scan3A_105  : i32 {
      %mul3A_430 = arith.constant 16 : i32
      %mul3A_431 = arith.muli %scan3A_429, %mul3A_430 : i32
      %get3A = arith.index_cast %mul3A_431 : i32 to index
      %get3A_432 = tpu.vector_load %arg8[%get3A] {strides = array<i32>} : memref<1024xi32, #tpu.memory_space<vmem>>, vector<16xi32>,
      %get3A_433 = arith.index_cast %mul3A_431 : i32 to index
      %get3A_434 = tpu.vector_load %arg7[%get3A_433] {strides = array<i32>} : memref<1024xf32, #tpu.memory_space<vmem>>, vector<16xf32>,
      %sub3A = arith.constant 1 : i32
      %sub3A_435 = vector.broadcast %sub3A : i32 to vector<16xi32>
      %sub3A_436 = arith.subi %get3A_432, %sub3A_435 : vector<16xi32>
      %max3A = arith.constant 0 : i32
      %max3A_437 = vector.broadcast %max3A : i32 to vector<16xi32>
      %max3A_438 = arith.maxsi %sub3A_436, %max3A_437 : vector<16xi32>
      %add3A_439 = vector.broadcast %mul3A_431 : i32 to vector<16xi32>
      %add3A_440 = arith.addi %add3A_439, %iota3A : vector<16xi32>
      %gather3A = tpu.vector_load_idx %arg6[%max3A_438, %add3A_440] : memref<32x1024xf32, #tpu.memory_space<vmem>>[vector<16xi32>, vector<16xi32>], vector<16xf32>,
      %eq3A = arith.constant 0 : i32
      %eq3A_441 = vector.broadcast %eq3A : i32 to vector<16xi32>
      %eq3A_442 = arith.cmpi eq, %get3A_432, %eq3A_441 : vector<16xi32>
      %select_n3A = arith.select %eq3A_442, %get3A_434, %gather3A : vector<16xi1>, vector<16xf32>
      %swap3A = arith.index_cast %mul3A_431 : i32 to index
      %swap3A_443 = tpu.vector_load %arg9[%swap3A] {strides = array<i32>} : memref<1024xf32, #tpu.memory_space<vmem>>, vector<16xf32>,
      tpu.vector_store %arg9[%swap3A], %select_n3A {strides = array<i32>} : memref<1024xf32, #tpu.memory_space<vmem>>, vector<16xf32>,
    }
    %scan3A_106 = arith.constant 64 : i32
    %add3A_107 = arith.constant 64 : i32
    %add3A_108 = arith.addi %add3A, %add3A_107 : i32
    %mul3A_109 = arith.constant 1024 : i32
    %mul3A_110 = arith.muli %add3A_108, %mul3A_109 : i32
    %multiple_of3A_111 = tpu.assume_multiple %mul3A_110, 128 : i32
    %dma_start3A_112 = tpu.memref_slice %arg5[%multiple_of3A_111] : memref<1000000xf32, #tpu.memory_space<hbm>> -> memref<1024xf32, #tpu.memory_space<hbm>>
    %dma_start3A_113 = tpu.memref_slice %arg5[%multiple_of3A_111] : memref<1000000xf32, #tpu.memory_space<hbm>> -> memref<1024xf32, #tpu.memory_space<hbm>>
    tpu.enqueue_dma source(%arg9 : memref<1024xf32, #tpu.memory_space<vmem>>) target(%dma_start3A_113 : memref<1024xf32, #tpu.memory_space<hbm>>) target_semaphore(%arg16 : memref<!tpu.dma_semaphore, #tpu.memory_space<semaphore_mem>>)
    %add3A_114 = arith.constant 128 : i32
    %add3A_115 = arith.addi %add3A, %add3A_114 : i32
    %mul3A_116 = arith.constant 1024 : i32
    %mul3A_117 = arith.muli %add3A_115, %mul3A_116 : i32
    %multiple_of3A_118 = tpu.assume_multiple %mul3A_117, 128 : i32
    %dma_start3A_119 = tpu.memref_slice %arg4[%multiple_of3A_118] : memref<1000000xi32, #tpu.memory_space<hbm>> -> memref<1024xi32, #tpu.memory_space<hbm>>
    %dma_start3A_120 = tpu.memref_slice %arg4[%multiple_of3A_118] : memref<1000000xi32, #tpu.memory_space<hbm>> -> memref<1024xi32, #tpu.memory_space<hbm>>
    tpu.enqueue_dma source(%dma_start3A_120 : memref<1024xi32, #tpu.memory_space<hbm>>) target(%arg8 : memref<1024xi32, #tpu.memory_space<vmem>>) target_semaphore(%arg14 : memref<!tpu.dma_semaphore, #tpu.memory_space<semaphore_mem>>)
    %dma_start3A_121 = tpu.memref_slice %arg2[%multiple_of3A_118] : memref<1000000xf32, #tpu.memory_space<hbm>> -> memref<1024xf32, #tpu.memory_space<hbm>>
    %dma_start3A_122 = tpu.memref_slice %arg2[%multiple_of3A_118] : memref<1000000xf32, #tpu.memory_space<hbm>> -> memref<1024xf32, #tpu.memory_space<hbm>>
    tpu.enqueue_dma source(%dma_start3A_122 : memref<1024xf32, #tpu.memory_space<hbm>>) target(%arg7 : memref<1024xf32, #tpu.memory_space<vmem>>) target_semaphore(%arg14 : memref<!tpu.dma_semaphore, #tpu.memory_space<semaphore_mem>>)
    %dma_start3A_123 = arith.constant 0 : i32
    %dma_start3A_124 = tpu.memref_slice %arg3[%dma_start3A_123, %multiple_of3A_118] : memref<32x1000000xf32, #tpu.memory_space<hbm>> -> memref<32x1024xf32, #tpu.memory_space<hbm>>
    %dma_start3A_125 = arith.constant 0 : i32
    %dma_start3A_126 = tpu.memref_slice %arg3[%dma_start3A_125, %multiple_of3A_118] : memref<32x1000000xf32, #tpu.memory_space<hbm>> -> memref<32x1024xf32, #tpu.memory_space<hbm>>
    tpu.enqueue_dma source(%dma_start3A_126 : memref<32x1024xf32, #tpu.memory_space<hbm>>) target(%arg6 : memref<32x1024xf32, #tpu.memory_space<vmem>>) target_semaphore(%arg14 : memref<!tpu.dma_semaphore, #tpu.memory_space<semaphore_mem>>)
    %dma_wait3A_127 = tpu.memref_slice %arg4[%multiple_of3A_82] : memref<1000000xi32, #tpu.memory_space<hbm>> -> memref<1024xi32, #tpu.memory_space<hbm>>
    %dma_wait3A_128 = tpu.memref_slice %arg4[%multiple_of3A_82] : memref<1000000xi32, #tpu.memory_space<hbm>> -> memref<1024xi32, #tpu.memory_space<hbm>>
    tpu.wait_dma2 semaphore(%arg15 : memref<!tpu.dma_semaphore, #tpu.memory_space<semaphore_mem>>) src(%dma_wait3A_128 : memref<1024xi32, #tpu.memory_space<hbm>>) dst(%arg12 : memref<1024xi32, #tpu.memory_space<vmem>>)
    %dma_wait3A_129 = tpu.memref_slice %arg2[%multiple_of3A_82] : memref<1000000xf32, #tpu.memory_space<hbm>> -> memref<1024xf32, #tpu.memory_space<hbm>>
    %dma_wait3A_130 = tpu.memref_slice %arg2[%multiple_of3A_82] : memref<1000000xf32, #tpu.memory_space<hbm>> -> memref<1024xf32, #tpu.memory_space<hbm>>
    tpu.wait_dma2 semaphore(%arg15 : memref<!tpu.dma_semaphore, #tpu.memory_space<semaphore_mem>>) src(%dma_wait3A_130 : memref<1024xf32, #tpu.memory_space<hbm>>) dst(%arg11 : memref<1024xf32, #tpu.memory_space<vmem>>)
    %dma_wait3A_131 = arith.constant 0 : i32
    %dma_wait3A_132 = tpu.memref_slice %arg3[%dma_wait3A_131, %multiple_of3A_82] : memref<32x1000000xf32, #tpu.memory_space<hbm>> -> memref<32x1024xf32, #tpu.memory_space<hbm>>
    %dma_wait3A_133 = arith.constant 0 : i32
    %dma_wait3A_134 = tpu.memref_slice %arg3[%dma_wait3A_133, %multiple_of3A_82] : memref<32x1000000xf32, #tpu.memory_space<hbm>> -> memref<32x1024xf32, #tpu.memory_space<hbm>>
    tpu.wait_dma2 semaphore(%arg15 : memref<!tpu.dma_semaphore, #tpu.memory_space<semaphore_mem>>) src(%dma_wait3A_134 : memref<32x1024xf32, #tpu.memory_space<hbm>>) dst(%arg10 : memref<32x1024xf32, #tpu.memory_space<vmem>>)
    %dma_wait3A_135 = tpu.memref_slice %arg5[%multiple_of3A_75] : memref<1000000xf32, #tpu.memory_space<hbm>> -> memref<1024xf32, #tpu.memory_space<hbm>>
    %dma_wait3A_136 = tpu.memref_slice %arg5[%multiple_of3A_75] : memref<1000000xf32, #tpu.memory_space<hbm>> -> memref<1024xf32, #tpu.memory_space<hbm>>
    tpu.wait_dma2 semaphore(%arg17 : memref<!tpu.dma_semaphore, #tpu.memory_space<semaphore_mem>>) src(%arg13 : memref<1024xf32, #tpu.memory_space<vmem>>) dst(%dma_wait3A_136 : memref<1024xf32, #tpu.memory_space<hbm>>)
    %scan3A_137 = arith.constant 0 : i32
    %scan3A_138 = arith.constant 0 : i32
    %scan3A_139 = arith.constant 64 : i32
    %scan3A_140 = arith.addi %scan3A_138, %scan3A_139 : i32
    %scan3A_141 = arith.constant 1 : i32
    scf.for %scan3A_429 = %scan3A_138 to %scan3A_140 step %scan3A_141  : i32 {
      %mul3A_430 = arith.constant 16 : i32
      %mul3A_431 = arith.muli %scan3A_429, %mul3A_430 : i32
      %get3A = arith.index_cast %mul3A_431 : i32 to index
      %get3A_432 = tpu.vector_load %arg12[%get3A] {strides = array<i32>} : memref<1024xi32, #tpu.memory_space<vmem>>, vector<16xi32>,
      %get3A_433 = arith.index_cast %mul3A_431 : i32 to index
      %get3A_434 = tpu.vector_load %arg11[%get3A_433] {strides = array<i32>} : memref<1024xf32, #tpu.memory_space<vmem>>, vector<16xf32>,
      %sub3A = arith.constant 1 : i32
      %sub3A_435 = vector.broadcast %sub3A : i32 to vector<16xi32>
      %sub3A_436 = arith.subi %get3A_432, %sub3A_435 : vector<16xi32>
      %max3A = arith.constant 0 : i32
      %max3A_437 = vector.broadcast %max3A : i32 to vector<16xi32>
      %max3A_438 = arith.maxsi %sub3A_436, %max3A_437 : vector<16xi32>
      %add3A_439 = vector.broadcast %mul3A_431 : i32 to vector<16xi32>
      %add3A_440 = arith.addi %add3A_439, %iota3A : vector<16xi32>
      %gather3A = tpu.vector_load_idx %arg10[%max3A_438, %add3A_440] : memref<32x1024xf32, #tpu.memory_space<vmem>>[vector<16xi32>, vector<16xi32>], vector<16xf32>,
      %eq3A = arith.constant 0 : i32
      %eq3A_441 = vector.broadcast %eq3A : i32 to vector<16xi32>
      %eq3A_442 = arith.cmpi eq, %get3A_432, %eq3A_441 : vector<16xi32>
      %select_n3A = arith.select %eq3A_442, %get3A_434, %gather3A : vector<16xi1>, vector<16xf32>
      %swap3A = arith.index_cast %mul3A_431 : i32 to index
      %swap3A_443 = tpu.vector_load %arg13[%swap3A] {strides = array<i32>} : memref<1024xf32, #tpu.memory_space<vmem>>, vector<16xf32>,
      tpu.vector_store %arg13[%swap3A], %select_n3A {strides = array<i32>} : memref<1024xf32, #tpu.memory_space<vmem>>, vector<16xf32>,
    }
    %scan3A_142 = arith.constant 64 : i32
    %add3A_143 = arith.constant 96 : i32
    %add3A_144 = arith.addi %add3A, %add3A_143 : i32
    %mul3A_145 = arith.constant 1024 : i32
    %mul3A_146 = arith.muli %add3A_144, %mul3A_145 : i32
    %multiple_of3A_147 = tpu.assume_multiple %mul3A_146, 128 : i32
    %dma_start3A_148 = tpu.memref_slice %arg5[%multiple_of3A_147] : memref<1000000xf32, #tpu.memory_space<hbm>> -> memref<1024xf32, #tpu.memory_space<hbm>>
    %dma_start3A_149 = tpu.memref_slice %arg5[%multiple_of3A_147] : memref<1000000xf32, #tpu.memory_space<hbm>> -> memref<1024xf32, #tpu.memory_space<hbm>>
    tpu.enqueue_dma source(%arg13 : memref<1024xf32, #tpu.memory_space<vmem>>) target(%dma_start3A_149 : memref<1024xf32, #tpu.memory_space<hbm>>) target_semaphore(%arg17 : memref<!tpu.dma_semaphore, #tpu.memory_space<semaphore_mem>>)
    %add3A_150 = arith.constant 160 : i32
    %add3A_151 = arith.addi %add3A, %add3A_150 : i32
    %mul3A_152 = arith.constant 1024 : i32
    %mul3A_153 = arith.muli %add3A_151, %mul3A_152 : i32
    %multiple_of3A_154 = tpu.assume_multiple %mul3A_153, 128 : i32
    %dma_start3A_155 = tpu.memref_slice %arg4[%multiple_of3A_154] : memref<1000000xi32, #tpu.memory_space<hbm>> -> memref<1024xi32, #tpu.memory_space<hbm>>
    %dma_start3A_156 = tpu.memref_slice %arg4[%multiple_of3A_154] : memref<1000000xi32, #tpu.memory_space<hbm>> -> memref<1024xi32, #tpu.memory_space<hbm>>
    tpu.enqueue_dma source(%dma_start3A_156 : memref<1024xi32, #tpu.memory_space<hbm>>) target(%arg12 : memref<1024xi32, #tpu.memory_space<vmem>>) target_semaphore(%arg15 : memref<!tpu.dma_semaphore, #tpu.memory_space<semaphore_mem>>)
    %dma_start3A_157 = tpu.memref_slice %arg2[%multiple_of3A_154] : memref<1000000xf32, #tpu.memory_space<hbm>> -> memref<1024xf32, #tpu.memory_space<hbm>>
    %dma_start3A_158 = tpu.memref_slice %arg2[%multiple_of3A_154] : memref<1000000xf32, #tpu.memory_space<hbm>> -> memref<1024xf32, #tpu.memory_space<hbm>>
    tpu.enqueue_dma source(%dma_start3A_158 : memref<1024xf32, #tpu.memory_space<hbm>>) target(%arg11 : memref<1024xf32, #tpu.memory_space<vmem>>) target_semaphore(%arg15 : memref<!tpu.dma_semaphore, #tpu.memory_space<semaphore_mem>>)
    %dma_start3A_159 = arith.constant 0 : i32
    %dma_start3A_160 = tpu.memref_slice %arg3[%dma_start3A_159, %multiple_of3A_154] : memref<32x1000000xf32, #tpu.memory_space<hbm>> -> memref<32x1024xf32, #tpu.memory_space<hbm>>
    %dma_start3A_161 = arith.constant 0 : i32
    %dma_start3A_162 = tpu.memref_slice %arg3[%dma_start3A_161, %multiple_of3A_154] : memref<32x1000000xf32, #tpu.memory_space<hbm>> -> memref<32x1024xf32, #tpu.memory_space<hbm>>
    tpu.enqueue_dma source(%dma_start3A_162 : memref<32x1024xf32, #tpu.memory_space<hbm>>) target(%arg10 : memref<32x1024xf32, #tpu.memory_space<vmem>>) target_semaphore(%arg15 : memref<!tpu.dma_semaphore, #tpu.memory_space<semaphore_mem>>)
    %dma_wait3A_163 = tpu.memref_slice %arg4[%multiple_of3A_118] : memref<1000000xi32, #tpu.memory_space<hbm>> -> memref<1024xi32, #tpu.memory_space<hbm>>
    %dma_wait3A_164 = tpu.memref_slice %arg4[%multiple_of3A_118] : memref<1000000xi32, #tpu.memory_space<hbm>> -> memref<1024xi32, #tpu.memory_space<hbm>>
    tpu.wait_dma2 semaphore(%arg14 : memref<!tpu.dma_semaphore, #tpu.memory_space<semaphore_mem>>) src(%dma_wait3A_164 : memref<1024xi32, #tpu.memory_space<hbm>>) dst(%arg8 : memref<1024xi32, #tpu.memory_space<vmem>>)
    %dma_wait3A_165 = tpu.memref_slice %arg2[%multiple_of3A_118] : memref<1000000xf32, #tpu.memory_space<hbm>> -> memref<1024xf32, #tpu.memory_space<hbm>>
    %dma_wait3A_166 = tpu.memref_slice %arg2[%multiple_of3A_118] : memref<1000000xf32, #tpu.memory_space<hbm>> -> memref<1024xf32, #tpu.memory_space<hbm>>
    tpu.wait_dma2 semaphore(%arg14 : memref<!tpu.dma_semaphore, #tpu.memory_space<semaphore_mem>>) src(%dma_wait3A_166 : memref<1024xf32, #tpu.memory_space<hbm>>) dst(%arg7 : memref<1024xf32, #tpu.memory_space<vmem>>)
    %dma_wait3A_167 = arith.constant 0 : i32
    %dma_wait3A_168 = tpu.memref_slice %arg3[%dma_wait3A_167, %multiple_of3A_118] : memref<32x1000000xf32, #tpu.memory_space<hbm>> -> memref<32x1024xf32, #tpu.memory_space<hbm>>
    %dma_wait3A_169 = arith.constant 0 : i32
    %dma_wait3A_170 = tpu.memref_slice %arg3[%dma_wait3A_169, %multiple_of3A_118] : memref<32x1000000xf32, #tpu.memory_space<hbm>> -> memref<32x1024xf32, #tpu.memory_space<hbm>>
    tpu.wait_dma2 semaphore(%arg14 : memref<!tpu.dma_semaphore, #tpu.memory_space<semaphore_mem>>) src(%dma_wait3A_170 : memref<32x1024xf32, #tpu.memory_space<hbm>>) dst(%arg6 : memref<32x1024xf32, #tpu.memory_space<vmem>>)
    %dma_wait3A_171 = tpu.memref_slice %arg5[%multiple_of3A_111] : memref<1000000xf32, #tpu.memory_space<hbm>> -> memref<1024xf32, #tpu.memory_space<hbm>>
    %dma_wait3A_172 = tpu.memref_slice %arg5[%multiple_of3A_111] : memref<1000000xf32, #tpu.memory_space<hbm>> -> memref<1024xf32, #tpu.memory_space<hbm>>
    tpu.wait_dma2 semaphore(%arg16 : memref<!tpu.dma_semaphore, #tpu.memory_space<semaphore_mem>>) src(%arg9 : memref<1024xf32, #tpu.memory_space<vmem>>) dst(%dma_wait3A_172 : memref<1024xf32, #tpu.memory_space<hbm>>)
    %scan3A_173 = arith.constant 0 : i32
    %scan3A_174 = arith.constant 0 : i32
    %scan3A_175 = arith.constant 64 : i32
    %scan3A_176 = arith.addi %scan3A_174, %scan3A_175 : i32
    %scan3A_177 = arith.constant 1 : i32
    scf.for %scan3A_429 = %scan3A_174 to %scan3A_176 step %scan3A_177  : i32 {
      %mul3A_430 = arith.constant 16 : i32
      %mul3A_431 = arith.muli %scan3A_429, %mul3A_430 : i32
      %get3A = arith.index_cast %mul3A_431 : i32 to index
      %get3A_432 = tpu.vector_load %arg8[%get3A] {strides = array<i32>} : memref<1024xi32, #tpu.memory_space<vmem>>, vector<16xi32>,
      %get3A_433 = arith.index_cast %mul3A_431 : i32 to index
      %get3A_434 = tpu.vector_load %arg7[%get3A_433] {strides = array<i32>} : memref<1024xf32, #tpu.memory_space<vmem>>, vector<16xf32>,
      %sub3A = arith.constant 1 : i32
      %sub3A_435 = vector.broadcast %sub3A : i32 to vector<16xi32>
      %sub3A_436 = arith.subi %get3A_432, %sub3A_435 : vector<16xi32>
      %max3A = arith.constant 0 : i32
      %max3A_437 = vector.broadcast %max3A : i32 to vector<16xi32>
      %max3A_438 = arith.maxsi %sub3A_436, %max3A_437 : vector<16xi32>
      %add3A_439 = vector.broadcast %mul3A_431 : i32 to vector<16xi32>
      %add3A_440 = arith.addi %add3A_439, %iota3A : vector<16xi32>
      %gather3A = tpu.vector_load_idx %arg6[%max3A_438, %add3A_440] : memref<32x1024xf32, #tpu.memory_space<vmem>>[vector<16xi32>, vector<16xi32>], vector<16xf32>,
      %eq3A = arith.constant 0 : i32
      %eq3A_441 = vector.broadcast %eq3A : i32 to vector<16xi32>
      %eq3A_442 = arith.cmpi eq, %get3A_432, %eq3A_441 : vector<16xi32>
      %select_n3A = arith.select %eq3A_442, %get3A_434, %gather3A : vector<16xi1>, vector<16xf32>
      %swap3A = arith.index_cast %mul3A_431 : i32 to index
      %swap3A_443 = tpu.vector_load %arg9[%swap3A] {strides = array<i32>} : memref<1024xf32, #tpu.memory_space<vmem>>, vector<16xf32>,
      tpu.vector_store %arg9[%swap3A], %select_n3A {strides = array<i32>} : memref<1024xf32, #tpu.memory_space<vmem>>, vector<16xf32>,
    }
    %scan3A_178 = arith.constant 64 : i32
    %add3A_179 = arith.constant 128 : i32
    %add3A_180 = arith.addi %add3A, %add3A_179 : i32
    %mul3A_181 = arith.constant 1024 : i32
    %mul3A_182 = arith.muli %add3A_180, %mul3A_181 : i32
    %multiple_of3A_183 = tpu.assume_multiple %mul3A_182, 128 : i32
    %dma_start3A_184 = tpu.memref_slice %arg5[%multiple_of3A_183] : memref<1000000xf32, #tpu.memory_space<hbm>> -> memref<1024xf32, #tpu.memory_space<hbm>>
    %dma_start3A_185 = tpu.memref_slice %arg5[%multiple_of3A_183] : memref<1000000xf32, #tpu.memory_space<hbm>> -> memref<1024xf32, #tpu.memory_space<hbm>>
    tpu.enqueue_dma source(%arg9 : memref<1024xf32, #tpu.memory_space<vmem>>) target(%dma_start3A_185 : memref<1024xf32, #tpu.memory_space<hbm>>) target_semaphore(%arg16 : memref<!tpu.dma_semaphore, #tpu.memory_space<semaphore_mem>>)
    %add3A_186 = arith.constant 192 : i32
    %add3A_187 = arith.addi %add3A, %add3A_186 : i32
    %mul3A_188 = arith.constant 1024 : i32
    %mul3A_189 = arith.muli %add3A_187, %mul3A_188 : i32
    %multiple_of3A_190 = tpu.assume_multiple %mul3A_189, 128 : i32
    %dma_start3A_191 = tpu.memref_slice %arg4[%multiple_of3A_190] : memref<1000000xi32, #tpu.memory_space<hbm>> -> memref<1024xi32, #tpu.memory_space<hbm>>
    %dma_start3A_192 = tpu.memref_slice %arg4[%multiple_of3A_190] : memref<1000000xi32, #tpu.memory_space<hbm>> -> memref<1024xi32, #tpu.memory_space<hbm>>
    tpu.enqueue_dma source(%dma_start3A_192 : memref<1024xi32, #tpu.memory_space<hbm>>) target(%arg8 : memref<1024xi32, #tpu.memory_space<vmem>>) target_semaphore(%arg14 : memref<!tpu.dma_semaphore, #tpu.memory_space<semaphore_mem>>)
    %dma_start3A_193 = tpu.memref_slice %arg2[%multiple_of3A_190] : memref<1000000xf32, #tpu.memory_space<hbm>> -> memref<1024xf32, #tpu.memory_space<hbm>>
    %dma_start3A_194 = tpu.memref_slice %arg2[%multiple_of3A_190] : memref<1000000xf32, #tpu.memory_space<hbm>> -> memref<1024xf32, #tpu.memory_space<hbm>>
    tpu.enqueue_dma source(%dma_start3A_194 : memref<1024xf32, #tpu.memory_space<hbm>>) target(%arg7 : memref<1024xf32, #tpu.memory_space<vmem>>) target_semaphore(%arg14 : memref<!tpu.dma_semaphore, #tpu.memory_space<semaphore_mem>>)
    %dma_start3A_195 = arith.constant 0 : i32
    %dma_start3A_196 = tpu.memref_slice %arg3[%dma_start3A_195, %multiple_of3A_190] : memref<32x1000000xf32, #tpu.memory_space<hbm>> -> memref<32x1024xf32, #tpu.memory_space<hbm>>
    %dma_start3A_197 = arith.constant 0 : i32
    %dma_start3A_198 = tpu.memref_slice %arg3[%dma_start3A_197, %multiple_of3A_190] : memref<32x1000000xf32, #tpu.memory_space<hbm>> -> memref<32x1024xf32, #tpu.memory_space<hbm>>
    tpu.enqueue_dma source(%dma_start3A_198 : memref<32x1024xf32, #tpu.memory_space<hbm>>) target(%arg6 : memref<32x1024xf32, #tpu.memory_space<vmem>>) target_semaphore(%arg14 : memref<!tpu.dma_semaphore, #tpu.memory_space<semaphore_mem>>)
    %dma_wait3A_199 = tpu.memref_slice %arg4[%multiple_of3A_154] : memref<1000000xi32, #tpu.memory_space<hbm>> -> memref<1024xi32, #tpu.memory_space<hbm>>
    %dma_wait3A_200 = tpu.memref_slice %arg4[%multiple_of3A_154] : memref<1000000xi32, #tpu.memory_space<hbm>> -> memref<1024xi32, #tpu.memory_space<hbm>>
    tpu.wait_dma2 semaphore(%arg15 : memref<!tpu.dma_semaphore, #tpu.memory_space<semaphore_mem>>) src(%dma_wait3A_200 : memref<1024xi32, #tpu.memory_space<hbm>>) dst(%arg12 : memref<1024xi32, #tpu.memory_space<vmem>>)
    %dma_wait3A_201 = tpu.memref_slice %arg2[%multiple_of3A_154] : memref<1000000xf32, #tpu.memory_space<hbm>> -> memref<1024xf32, #tpu.memory_space<hbm>>
    %dma_wait3A_202 = tpu.memref_slice %arg2[%multiple_of3A_154] : memref<1000000xf32, #tpu.memory_space<hbm>> -> memref<1024xf32, #tpu.memory_space<hbm>>
    tpu.wait_dma2 semaphore(%arg15 : memref<!tpu.dma_semaphore, #tpu.memory_space<semaphore_mem>>) src(%dma_wait3A_202 : memref<1024xf32, #tpu.memory_space<hbm>>) dst(%arg11 : memref<1024xf32, #tpu.memory_space<vmem>>)
    %dma_wait3A_203 = arith.constant 0 : i32
    %dma_wait3A_204 = tpu.memref_slice %arg3[%dma_wait3A_203, %multiple_of3A_154] : memref<32x1000000xf32, #tpu.memory_space<hbm>> -> memref<32x1024xf32, #tpu.memory_space<hbm>>
    %dma_wait3A_205 = arith.constant 0 : i32
    %dma_wait3A_206 = tpu.memref_slice %arg3[%dma_wait3A_205, %multiple_of3A_154] : memref<32x1000000xf32, #tpu.memory_space<hbm>> -> memref<32x1024xf32, #tpu.memory_space<hbm>>
    tpu.wait_dma2 semaphore(%arg15 : memref<!tpu.dma_semaphore, #tpu.memory_space<semaphore_mem>>) src(%dma_wait3A_206 : memref<32x1024xf32, #tpu.memory_space<hbm>>) dst(%arg10 : memref<32x1024xf32, #tpu.memory_space<vmem>>)
    %dma_wait3A_207 = tpu.memref_slice %arg5[%multiple_of3A_147] : memref<1000000xf32, #tpu.memory_space<hbm>> -> memref<1024xf32, #tpu.memory_space<hbm>>
    %dma_wait3A_208 = tpu.memref_slice %arg5[%multiple_of3A_147] : memref<1000000xf32, #tpu.memory_space<hbm>> -> memref<1024xf32, #tpu.memory_space<hbm>>
    tpu.wait_dma2 semaphore(%arg17 : memref<!tpu.dma_semaphore, #tpu.memory_space<semaphore_mem>>) src(%arg13 : memref<1024xf32, #tpu.memory_space<vmem>>) dst(%dma_wait3A_208 : memref<1024xf32, #tpu.memory_space<hbm>>)
    %scan3A_209 = arith.constant 0 : i32
    %scan3A_210 = arith.constant 0 : i32
    %scan3A_211 = arith.constant 64 : i32
    %scan3A_212 = arith.addi %scan3A_210, %scan3A_211 : i32
    %scan3A_213 = arith.constant 1 : i32
    scf.for %scan3A_429 = %scan3A_210 to %scan3A_212 step %scan3A_213  : i32 {
      %mul3A_430 = arith.constant 16 : i32
      %mul3A_431 = arith.muli %scan3A_429, %mul3A_430 : i32
      %get3A = arith.index_cast %mul3A_431 : i32 to index
      %get3A_432 = tpu.vector_load %arg12[%get3A] {strides = array<i32>} : memref<1024xi32, #tpu.memory_space<vmem>>, vector<16xi32>,
      %get3A_433 = arith.index_cast %mul3A_431 : i32 to index
      %get3A_434 = tpu.vector_load %arg11[%get3A_433] {strides = array<i32>} : memref<1024xf32, #tpu.memory_space<vmem>>, vector<16xf32>,
      %sub3A = arith.constant 1 : i32
      %sub3A_435 = vector.broadcast %sub3A : i32 to vector<16xi32>
      %sub3A_436 = arith.subi %get3A_432, %sub3A_435 : vector<16xi32>
      %max3A = arith.constant 0 : i32
      %max3A_437 = vector.broadcast %max3A : i32 to vector<16xi32>
      %max3A_438 = arith.maxsi %sub3A_436, %max3A_437 : vector<16xi32>
      %add3A_439 = vector.broadcast %mul3A_431 : i32 to vector<16xi32>
      %add3A_440 = arith.addi %add3A_439, %iota3A : vector<16xi32>
      %gather3A = tpu.vector_load_idx %arg10[%max3A_438, %add3A_440] : memref<32x1024xf32, #tpu.memory_space<vmem>>[vector<16xi32>, vector<16xi32>], vector<16xf32>,
      %eq3A = arith.constant 0 : i32
      %eq3A_441 = vector.broadcast %eq3A : i32 to vector<16xi32>
      %eq3A_442 = arith.cmpi eq, %get3A_432, %eq3A_441 : vector<16xi32>
      %select_n3A = arith.select %eq3A_442, %get3A_434, %gather3A : vector<16xi1>, vector<16xf32>
      %swap3A = arith.index_cast %mul3A_431 : i32 to index
      %swap3A_443 = tpu.vector_load %arg13[%swap3A] {strides = array<i32>} : memref<1024xf32, #tpu.memory_space<vmem>>, vector<16xf32>,
      tpu.vector_store %arg13[%swap3A], %select_n3A {strides = array<i32>} : memref<1024xf32, #tpu.memory_space<vmem>>, vector<16xf32>,
    }
    %scan3A_214 = arith.constant 64 : i32
    %add3A_215 = arith.constant 160 : i32
    %add3A_216 = arith.addi %add3A, %add3A_215 : i32
    %mul3A_217 = arith.constant 1024 : i32
    %mul3A_218 = arith.muli %add3A_216, %mul3A_217 : i32
    %multiple_of3A_219 = tpu.assume_multiple %mul3A_218, 128 : i32
    %dma_start3A_220 = tpu.memref_slice %arg5[%multiple_of3A_219] : memref<1000000xf32, #tpu.memory_space<hbm>> -> memref<1024xf32, #tpu.memory_space<hbm>>
    %dma_start3A_221 = tpu.memref_slice %arg5[%multiple_of3A_219] : memref<1000000xf32, #tpu.memory_space<hbm>> -> memref<1024xf32, #tpu.memory_space<hbm>>
    tpu.enqueue_dma source(%arg13 : memref<1024xf32, #tpu.memory_space<vmem>>) target(%dma_start3A_221 : memref<1024xf32, #tpu.memory_space<hbm>>) target_semaphore(%arg17 : memref<!tpu.dma_semaphore, #tpu.memory_space<semaphore_mem>>)
    %add3A_222 = arith.constant 224 : i32
    %add3A_223 = arith.addi %add3A, %add3A_222 : i32
    %mul3A_224 = arith.constant 1024 : i32
    %mul3A_225 = arith.muli %add3A_223, %mul3A_224 : i32
    %multiple_of3A_226 = tpu.assume_multiple %mul3A_225, 128 : i32
    %dma_start3A_227 = tpu.memref_slice %arg4[%multiple_of3A_226] : memref<1000000xi32, #tpu.memory_space<hbm>> -> memref<1024xi32, #tpu.memory_space<hbm>>
    %dma_start3A_228 = tpu.memref_slice %arg4[%multiple_of3A_226] : memref<1000000xi32, #tpu.memory_space<hbm>> -> memref<1024xi32, #tpu.memory_space<hbm>>
    tpu.enqueue_dma source(%dma_start3A_228 : memref<1024xi32, #tpu.memory_space<hbm>>) target(%arg12 : memref<1024xi32, #tpu.memory_space<vmem>>) target_semaphore(%arg15 : memref<!tpu.dma_semaphore, #tpu.memory_space<semaphore_mem>>)
    %dma_start3A_229 = tpu.memref_slice %arg2[%multiple_of3A_226] : memref<1000000xf32, #tpu.memory_space<hbm>> -> memref<1024xf32, #tpu.memory_space<hbm>>
    %dma_start3A_230 = tpu.memref_slice %arg2[%multiple_of3A_226] : memref<1000000xf32, #tpu.memory_space<hbm>> -> memref<1024xf32, #tpu.memory_space<hbm>>
    tpu.enqueue_dma source(%dma_start3A_230 : memref<1024xf32, #tpu.memory_space<hbm>>) target(%arg11 : memref<1024xf32, #tpu.memory_space<vmem>>) target_semaphore(%arg15 : memref<!tpu.dma_semaphore, #tpu.memory_space<semaphore_mem>>)
    %dma_start3A_231 = arith.constant 0 : i32
    %dma_start3A_232 = tpu.memref_slice %arg3[%dma_start3A_231, %multiple_of3A_226] : memref<32x1000000xf32, #tpu.memory_space<hbm>> -> memref<32x1024xf32, #tpu.memory_space<hbm>>
    %dma_start3A_233 = arith.constant 0 : i32
    %dma_start3A_234 = tpu.memref_slice %arg3[%dma_start3A_233, %multiple_of3A_226] : memref<32x1000000xf32, #tpu.memory_space<hbm>> -> memref<32x1024xf32, #tpu.memory_space<hbm>>
    tpu.enqueue_dma source(%dma_start3A_234 : memref<32x1024xf32, #tpu.memory_space<hbm>>) target(%arg10 : memref<32x1024xf32, #tpu.memory_space<vmem>>) target_semaphore(%arg15 : memref<!tpu.dma_semaphore, #tpu.memory_space<semaphore_mem>>)
    %dma_wait3A_235 = tpu.memref_slice %arg4[%multiple_of3A_190] : memref<1000000xi32, #tpu.memory_space<hbm>> -> memref<1024xi32, #tpu.memory_space<hbm>>
    %dma_wait3A_236 = tpu.memref_slice %arg4[%multiple_of3A_190] : memref<1000000xi32, #tpu.memory_space<hbm>> -> memref<1024xi32, #tpu.memory_space<hbm>>
    tpu.wait_dma2 semaphore(%arg14 : memref<!tpu.dma_semaphore, #tpu.memory_space<semaphore_mem>>) src(%dma_wait3A_236 : memref<1024xi32, #tpu.memory_space<hbm>>) dst(%arg8 : memref<1024xi32, #tpu.memory_space<vmem>>)
    %dma_wait3A_237 = tpu.memref_slice %arg2[%multiple_of3A_190] : memref<1000000xf32, #tpu.memory_space<hbm>> -> memref<1024xf32, #tpu.memory_space<hbm>>
    %dma_wait3A_238 = tpu.memref_slice %arg2[%multiple_of3A_190] : memref<1000000xf32, #tpu.memory_space<hbm>> -> memref<1024xf32, #tpu.memory_space<hbm>>
    tpu.wait_dma2 semaphore(%arg14 : memref<!tpu.dma_semaphore, #tpu.memory_space<semaphore_mem>>) src(%dma_wait3A_238 : memref<1024xf32, #tpu.memory_space<hbm>>) dst(%arg7 : memref<1024xf32, #tpu.memory_space<vmem>>)
    %dma_wait3A_239 = arith.constant 0 : i32
    %dma_wait3A_240 = tpu.memref_slice %arg3[%dma_wait3A_239, %multiple_of3A_190] : memref<32x1000000xf32, #tpu.memory_space<hbm>> -> memref<32x1024xf32, #tpu.memory_space<hbm>>
    %dma_wait3A_241 = arith.constant 0 : i32
    %dma_wait3A_242 = tpu.memref_slice %arg3[%dma_wait3A_241, %multiple_of3A_190] : memref<32x1000000xf32, #tpu.memory_space<hbm>> -> memref<32x1024xf32, #tpu.memory_space<hbm>>
    tpu.wait_dma2 semaphore(%arg14 : memref<!tpu.dma_semaphore, #tpu.memory_space<semaphore_mem>>) src(%dma_wait3A_242 : memref<32x1024xf32, #tpu.memory_space<hbm>>) dst(%arg6 : memref<32x1024xf32, #tpu.memory_space<vmem>>)
    %dma_wait3A_243 = tpu.memref_slice %arg5[%multiple_of3A_183] : memref<1000000xf32, #tpu.memory_space<hbm>> -> memref<1024xf32, #tpu.memory_space<hbm>>
    %dma_wait3A_244 = tpu.memref_slice %arg5[%multiple_of3A_183] : memref<1000000xf32, #tpu.memory_space<hbm>> -> memref<1024xf32, #tpu.memory_space<hbm>>
    tpu.wait_dma2 semaphore(%arg16 : memref<!tpu.dma_semaphore, #tpu.memory_space<semaphore_mem>>) src(%arg9 : memref<1024xf32, #tpu.memory_space<vmem>>) dst(%dma_wait3A_244 : memref<1024xf32, #tpu.memory_space<hbm>>)
    %scan3A_245 = arith.constant 0 : i32
    %scan3A_246 = arith.constant 0 : i32
    %scan3A_247 = arith.constant 64 : i32
    %scan3A_248 = arith.addi %scan3A_246, %scan3A_247 : i32
    %scan3A_249 = arith.constant 1 : i32
    scf.for %scan3A_429 = %scan3A_246 to %scan3A_248 step %scan3A_249  : i32 {
      %mul3A_430 = arith.constant 16 : i32
      %mul3A_431 = arith.muli %scan3A_429, %mul3A_430 : i32
      %get3A = arith.index_cast %mul3A_431 : i32 to index
      %get3A_432 = tpu.vector_load %arg8[%get3A] {strides = array<i32>} : memref<1024xi32, #tpu.memory_space<vmem>>, vector<16xi32>,
      %get3A_433 = arith.index_cast %mul3A_431 : i32 to index
      %get3A_434 = tpu.vector_load %arg7[%get3A_433] {strides = array<i32>} : memref<1024xf32, #tpu.memory_space<vmem>>, vector<16xf32>,
      %sub3A = arith.constant 1 : i32
      %sub3A_435 = vector.broadcast %sub3A : i32 to vector<16xi32>
      %sub3A_436 = arith.subi %get3A_432, %sub3A_435 : vector<16xi32>
      %max3A = arith.constant 0 : i32
      %max3A_437 = vector.broadcast %max3A : i32 to vector<16xi32>
      %max3A_438 = arith.maxsi %sub3A_436, %max3A_437 : vector<16xi32>
      %add3A_439 = vector.broadcast %mul3A_431 : i32 to vector<16xi32>
      %add3A_440 = arith.addi %add3A_439, %iota3A : vector<16xi32>
      %gather3A = tpu.vector_load_idx %arg6[%max3A_438, %add3A_440] : memref<32x1024xf32, #tpu.memory_space<vmem>>[vector<16xi32>, vector<16xi32>], vector<16xf32>,
      %eq3A = arith.constant 0 : i32
      %eq3A_441 = vector.broadcast %eq3A : i32 to vector<16xi32>
      %eq3A_442 = arith.cmpi eq, %get3A_432, %eq3A_441 : vector<16xi32>
      %select_n3A = arith.select %eq3A_442, %get3A_434, %gather3A : vector<16xi1>, vector<16xf32>
      %swap3A = arith.index_cast %mul3A_431 : i32 to index
      %swap3A_443 = tpu.vector_load %arg9[%swap3A] {strides = array<i32>} : memref<1024xf32, #tpu.memory_space<vmem>>, vector<16xf32>,
      tpu.vector_store %arg9[%swap3A], %select_n3A {strides = array<i32>} : memref<1024xf32, #tpu.memory_space<vmem>>, vector<16xf32>,
    }
    %scan3A_250 = arith.constant 64 : i32
    %add3A_251 = arith.constant 192 : i32
    %add3A_252 = arith.addi %add3A, %add3A_251 : i32
    %mul3A_253 = arith.constant 1024 : i32
    %mul3A_254 = arith.muli %add3A_252, %mul3A_253 : i32
    %multiple_of3A_255 = tpu.assume_multiple %mul3A_254, 128 : i32
    %dma_start3A_256 = tpu.memref_slice %arg5[%multiple_of3A_255] : memref<1000000xf32, #tpu.memory_space<hbm>> -> memref<1024xf32, #tpu.memory_space<hbm>>
    %dma_start3A_257 = tpu.memref_slice %arg5[%multiple_of3A_255] : memref<1000000xf32, #tpu.memory_space<hbm>> -> memref<1024xf32, #tpu.memory_space<hbm>>
    tpu.enqueue_dma source(%arg9 : memref<1024xf32, #tpu.memory_space<vmem>>) target(%dma_start3A_257 : memref<1024xf32, #tpu.memory_space<hbm>>) target_semaphore(%arg16 : memref<!tpu.dma_semaphore, #tpu.memory_space<semaphore_mem>>)
    %add3A_258 = arith.constant 256 : i32
    %add3A_259 = arith.addi %add3A, %add3A_258 : i32
    %mul3A_260 = arith.constant 1024 : i32
    %mul3A_261 = arith.muli %add3A_259, %mul3A_260 : i32
    %multiple_of3A_262 = tpu.assume_multiple %mul3A_261, 128 : i32
    %dma_start3A_263 = tpu.memref_slice %arg4[%multiple_of3A_262] : memref<1000000xi32, #tpu.memory_space<hbm>> -> memref<1024xi32, #tpu.memory_space<hbm>>
    %dma_start3A_264 = tpu.memref_slice %arg4[%multiple_of3A_262] : memref<1000000xi32, #tpu.memory_space<hbm>> -> memref<1024xi32, #tpu.memory_space<hbm>>
    tpu.enqueue_dma source(%dma_start3A_264 : memref<1024xi32, #tpu.memory_space<hbm>>) target(%arg8 : memref<1024xi32, #tpu.memory_space<vmem>>) target_semaphore(%arg14 : memref<!tpu.dma_semaphore, #tpu.memory_space<semaphore_mem>>)
    %dma_start3A_265 = tpu.memref_slice %arg2[%multiple_of3A_262] : memref<1000000xf32, #tpu.memory_space<hbm>> -> memref<1024xf32, #tpu.memory_space<hbm>>
    %dma_start3A_266 = tpu.memref_slice %arg2[%multiple_of3A_262] : memref<1000000xf32, #tpu.memory_space<hbm>> -> memref<1024xf32, #tpu.memory_space<hbm>>
    tpu.enqueue_dma source(%dma_start3A_266 : memref<1024xf32, #tpu.memory_space<hbm>>) target(%arg7 : memref<1024xf32, #tpu.memory_space<vmem>>) target_semaphore(%arg14 : memref<!tpu.dma_semaphore, #tpu.memory_space<semaphore_mem>>)
    %dma_start3A_267 = arith.constant 0 : i32
    %dma_start3A_268 = tpu.memref_slice %arg3[%dma_start3A_267, %multiple_of3A_262] : memref<32x1000000xf32, #tpu.memory_space<hbm>> -> memref<32x1024xf32, #tpu.memory_space<hbm>>
    %dma_start3A_269 = arith.constant 0 : i32
    %dma_start3A_270 = tpu.memref_slice %arg3[%dma_start3A_269, %multiple_of3A_262] : memref<32x1000000xf32, #tpu.memory_space<hbm>> -> memref<32x1024xf32, #tpu.memory_space<hbm>>
    tpu.enqueue_dma source(%dma_start3A_270 : memref<32x1024xf32, #tpu.memory_space<hbm>>) target(%arg6 : memref<32x1024xf32, #tpu.memory_space<vmem>>) target_semaphore(%arg14 : memref<!tpu.dma_semaphore, #tpu.memory_space<semaphore_mem>>)
    %dma_wait3A_271 = tpu.memref_slice %arg4[%multiple_of3A_226] : memref<1000000xi32, #tpu.memory_space<hbm>> -> memref<1024xi32, #tpu.memory_space<hbm>>
    %dma_wait3A_272 = tpu.memref_slice %arg4[%multiple_of3A_226] : memref<1000000xi32, #tpu.memory_space<hbm>> -> memref<1024xi32, #tpu.memory_space<hbm>>
    tpu.wait_dma2 semaphore(%arg15 : memref<!tpu.dma_semaphore, #tpu.memory_space<semaphore_mem>>) src(%dma_wait3A_272 : memref<1024xi32, #tpu.memory_space<hbm>>) dst(%arg12 : memref<1024xi32, #tpu.memory_space<vmem>>)
    %dma_wait3A_273 = tpu.memref_slice %arg2[%multiple_of3A_226] : memref<1000000xf32, #tpu.memory_space<hbm>> -> memref<1024xf32, #tpu.memory_space<hbm>>
    %dma_wait3A_274 = tpu.memref_slice %arg2[%multiple_of3A_226] : memref<1000000xf32, #tpu.memory_space<hbm>> -> memref<1024xf32, #tpu.memory_space<hbm>>
    tpu.wait_dma2 semaphore(%arg15 : memref<!tpu.dma_semaphore, #tpu.memory_space<semaphore_mem>>) src(%dma_wait3A_274 : memref<1024xf32, #tpu.memory_space<hbm>>) dst(%arg11 : memref<1024xf32, #tpu.memory_space<vmem>>)
    %dma_wait3A_275 = arith.constant 0 : i32
    %dma_wait3A_276 = tpu.memref_slice %arg3[%dma_wait3A_275, %multiple_of3A_226] : memref<32x1000000xf32, #tpu.memory_space<hbm>> -> memref<32x1024xf32, #tpu.memory_space<hbm>>
    %dma_wait3A_277 = arith.constant 0 : i32
    %dma_wait3A_278 = tpu.memref_slice %arg3[%dma_wait3A_277, %multiple_of3A_226] : memref<32x1000000xf32, #tpu.memory_space<hbm>> -> memref<32x1024xf32, #tpu.memory_space<hbm>>
    tpu.wait_dma2 semaphore(%arg15 : memref<!tpu.dma_semaphore, #tpu.memory_space<semaphore_mem>>) src(%dma_wait3A_278 : memref<32x1024xf32, #tpu.memory_space<hbm>>) dst(%arg10 : memref<32x1024xf32, #tpu.memory_space<vmem>>)
    %dma_wait3A_279 = tpu.memref_slice %arg5[%multiple_of3A_219] : memref<1000000xf32, #tpu.memory_space<hbm>> -> memref<1024xf32, #tpu.memory_space<hbm>>
    %dma_wait3A_280 = tpu.memref_slice %arg5[%multiple_of3A_219] : memref<1000000xf32, #tpu.memory_space<hbm>> -> memref<1024xf32, #tpu.memory_space<hbm>>
    tpu.wait_dma2 semaphore(%arg17 : memref<!tpu.dma_semaphore, #tpu.memory_space<semaphore_mem>>) src(%arg13 : memref<1024xf32, #tpu.memory_space<vmem>>) dst(%dma_wait3A_280 : memref<1024xf32, #tpu.memory_space<hbm>>)
    %scan3A_281 = arith.constant 0 : i32
    %scan3A_282 = arith.constant 0 : i32
    %scan3A_283 = arith.constant 64 : i32
    %scan3A_284 = arith.addi %scan3A_282, %scan3A_283 : i32
    %scan3A_285 = arith.constant 1 : i32
    scf.for %scan3A_429 = %scan3A_282 to %scan3A_284 step %scan3A_285  : i32 {
      %mul3A_430 = arith.constant 16 : i32
      %mul3A_431 = arith.muli %scan3A_429, %mul3A_430 : i32
      %get3A = arith.index_cast %mul3A_431 : i32 to index
      %get3A_432 = tpu.vector_load %arg12[%get3A] {strides = array<i32>} : memref<1024xi32, #tpu.memory_space<vmem>>, vector<16xi32>,
      %get3A_433 = arith.index_cast %mul3A_431 : i32 to index
      %get3A_434 = tpu.vector_load %arg11[%get3A_433] {strides = array<i32>} : memref<1024xf32, #tpu.memory_space<vmem>>, vector<16xf32>,
      %sub3A = arith.constant 1 : i32
      %sub3A_435 = vector.broadcast %sub3A : i32 to vector<16xi32>
      %sub3A_436 = arith.subi %get3A_432, %sub3A_435 : vector<16xi32>
      %max3A = arith.constant 0 : i32
      %max3A_437 = vector.broadcast %max3A : i32 to vector<16xi32>
      %max3A_438 = arith.maxsi %sub3A_436, %max3A_437 : vector<16xi32>
      %add3A_439 = vector.broadcast %mul3A_431 : i32 to vector<16xi32>
      %add3A_440 = arith.addi %add3A_439, %iota3A : vector<16xi32>
      %gather3A = tpu.vector_load_idx %arg10[%max3A_438, %add3A_440] : memref<32x1024xf32, #tpu.memory_space<vmem>>[vector<16xi32>, vector<16xi32>], vector<16xf32>,
      %eq3A = arith.constant 0 : i32
      %eq3A_441 = vector.broadcast %eq3A : i32 to vector<16xi32>
      %eq3A_442 = arith.cmpi eq, %get3A_432, %eq3A_441 : vector<16xi32>
      %select_n3A = arith.select %eq3A_442, %get3A_434, %gather3A : vector<16xi1>, vector<16xf32>
      %swap3A = arith.index_cast %mul3A_431 : i32 to index
      %swap3A_443 = tpu.vector_load %arg13[%swap3A] {strides = array<i32>} : memref<1024xf32, #tpu.memory_space<vmem>>, vector<16xf32>,
      tpu.vector_store %arg13[%swap3A], %select_n3A {strides = array<i32>} : memref<1024xf32, #tpu.memory_space<vmem>>, vector<16xf32>,
    }
    %scan3A_286 = arith.constant 64 : i32
    %add3A_287 = arith.constant 224 : i32
    %add3A_288 = arith.addi %add3A, %add3A_287 : i32
    %mul3A_289 = arith.constant 1024 : i32
    %mul3A_290 = arith.muli %add3A_288, %mul3A_289 : i32
    %multiple_of3A_291 = tpu.assume_multiple %mul3A_290, 128 : i32
    %dma_start3A_292 = tpu.memref_slice %arg5[%multiple_of3A_291] : memref<1000000xf32, #tpu.memory_space<hbm>> -> memref<1024xf32, #tpu.memory_space<hbm>>
    %dma_start3A_293 = tpu.memref_slice %arg5[%multiple_of3A_291] : memref<1000000xf32, #tpu.memory_space<hbm>> -> memref<1024xf32, #tpu.memory_space<hbm>>
    tpu.enqueue_dma source(%arg13 : memref<1024xf32, #tpu.memory_space<vmem>>) target(%dma_start3A_293 : memref<1024xf32, #tpu.memory_space<hbm>>) target_semaphore(%arg17 : memref<!tpu.dma_semaphore, #tpu.memory_space<semaphore_mem>>)
    %add3A_294 = arith.constant 288 : i32
    %add3A_295 = arith.addi %add3A, %add3A_294 : i32
    %mul3A_296 = arith.constant 1024 : i32
    %mul3A_297 = arith.muli %add3A_295, %mul3A_296 : i32
    %multiple_of3A_298 = tpu.assume_multiple %mul3A_297, 128 : i32
    %dma_start3A_299 = tpu.memref_slice %arg4[%multiple_of3A_298] : memref<1000000xi32, #tpu.memory_space<hbm>> -> memref<1024xi32, #tpu.memory_space<hbm>>
    %dma_start3A_300 = tpu.memref_slice %arg4[%multiple_of3A_298] : memref<1000000xi32, #tpu.memory_space<hbm>> -> memref<1024xi32, #tpu.memory_space<hbm>>
    tpu.enqueue_dma source(%dma_start3A_300 : memref<1024xi32, #tpu.memory_space<hbm>>) target(%arg12 : memref<1024xi32, #tpu.memory_space<vmem>>) target_semaphore(%arg15 : memref<!tpu.dma_semaphore, #tpu.memory_space<semaphore_mem>>)
    %dma_start3A_301 = tpu.memref_slice %arg2[%multiple_of3A_298] : memref<1000000xf32, #tpu.memory_space<hbm>> -> memref<1024xf32, #tpu.memory_space<hbm>>
    %dma_start3A_302 = tpu.memref_slice %arg2[%multiple_of3A_298] : memref<1000000xf32, #tpu.memory_space<hbm>> -> memref<1024xf32, #tpu.memory_space<hbm>>
    tpu.enqueue_dma source(%dma_start3A_302 : memref<1024xf32, #tpu.memory_space<hbm>>) target(%arg11 : memref<1024xf32, #tpu.memory_space<vmem>>) target_semaphore(%arg15 : memref<!tpu.dma_semaphore, #tpu.memory_space<semaphore_mem>>)
    %dma_start3A_303 = arith.constant 0 : i32
    %dma_start3A_304 = tpu.memref_slice %arg3[%dma_start3A_303, %multiple_of3A_298] : memref<32x1000000xf32, #tpu.memory_space<hbm>> -> memref<32x1024xf32, #tpu.memory_space<hbm>>
    %dma_start3A_305 = arith.constant 0 : i32
    %dma_start3A_306 = tpu.memref_slice %arg3[%dma_start3A_305, %multiple_of3A_298] : memref<32x1000000xf32, #tpu.memory_space<hbm>> -> memref<32x1024xf32, #tpu.memory_space<hbm>>
    tpu.enqueue_dma source(%dma_start3A_306 : memref<32x1024xf32, #tpu.memory_space<hbm>>) target(%arg10 : memref<32x1024xf32, #tpu.memory_space<vmem>>) target_semaphore(%arg15 : memref<!tpu.dma_semaphore, #tpu.memory_space<semaphore_mem>>)
    %dma_wait3A_307 = tpu.memref_slice %arg4[%multiple_of3A_262] : memref<1000000xi32, #tpu.memory_space<hbm>> -> memref<1024xi32, #tpu.memory_space<hbm>>
    %dma_wait3A_308 = tpu.memref_slice %arg4[%multiple_of3A_262] : memref<1000000xi32, #tpu.memory_space<hbm>> -> memref<1024xi32, #tpu.memory_space<hbm>>
    tpu.wait_dma2 semaphore(%arg14 : memref<!tpu.dma_semaphore, #tpu.memory_space<semaphore_mem>>) src(%dma_wait3A_308 : memref<1024xi32, #tpu.memory_space<hbm>>) dst(%arg8 : memref<1024xi32, #tpu.memory_space<vmem>>)
    %dma_wait3A_309 = tpu.memref_slice %arg2[%multiple_of3A_262] : memref<1000000xf32, #tpu.memory_space<hbm>> -> memref<1024xf32, #tpu.memory_space<hbm>>
    %dma_wait3A_310 = tpu.memref_slice %arg2[%multiple_of3A_262] : memref<1000000xf32, #tpu.memory_space<hbm>> -> memref<1024xf32, #tpu.memory_space<hbm>>
    tpu.wait_dma2 semaphore(%arg14 : memref<!tpu.dma_semaphore, #tpu.memory_space<semaphore_mem>>) src(%dma_wait3A_310 : memref<1024xf32, #tpu.memory_space<hbm>>) dst(%arg7 : memref<1024xf32, #tpu.memory_space<vmem>>)
    %dma_wait3A_311 = arith.constant 0 : i32
    %dma_wait3A_312 = tpu.memref_slice %arg3[%dma_wait3A_311, %multiple_of3A_262] : memref<32x1000000xf32, #tpu.memory_space<hbm>> -> memref<32x1024xf32, #tpu.memory_space<hbm>>
    %dma_wait3A_313 = arith.constant 0 : i32
    %dma_wait3A_314 = tpu.memref_slice %arg3[%dma_wait3A_313, %multiple_of3A_262] : memref<32x1000000xf32, #tpu.memory_space<hbm>> -> memref<32x1024xf32, #tpu.memory_space<hbm>>
    tpu.wait_dma2 semaphore(%arg14 : memref<!tpu.dma_semaphore, #tpu.memory_space<semaphore_mem>>) src(%dma_wait3A_314 : memref<32x1024xf32, #tpu.memory_space<hbm>>) dst(%arg6 : memref<32x1024xf32, #tpu.memory_space<vmem>>)
    %dma_wait3A_315 = tpu.memref_slice %arg5[%multiple_of3A_255] : memref<1000000xf32, #tpu.memory_space<hbm>> -> memref<1024xf32, #tpu.memory_space<hbm>>
    %dma_wait3A_316 = tpu.memref_slice %arg5[%multiple_of3A_255] : memref<1000000xf32, #tpu.memory_space<hbm>> -> memref<1024xf32, #tpu.memory_space<hbm>>
    tpu.wait_dma2 semaphore(%arg16 : memref<!tpu.dma_semaphore, #tpu.memory_space<semaphore_mem>>) src(%arg9 : memref<1024xf32, #tpu.memory_space<vmem>>) dst(%dma_wait3A_316 : memref<1024xf32, #tpu.memory_space<hbm>>)
    %scan3A_317 = arith.constant 0 : i32
    %scan3A_318 = arith.constant 0 : i32
    %scan3A_319 = arith.constant 64 : i32
    %scan3A_320 = arith.addi %scan3A_318, %scan3A_319 : i32
    %scan3A_321 = arith.constant 1 : i32
    scf.for %scan3A_429 = %scan3A_318 to %scan3A_320 step %scan3A_321  : i32 {
      %mul3A_430 = arith.constant 16 : i32
      %mul3A_431 = arith.muli %scan3A_429, %mul3A_430 : i32
      %get3A = arith.index_cast %mul3A_431 : i32 to index
      %get3A_432 = tpu.vector_load %arg8[%get3A] {strides = array<i32>} : memref<1024xi32, #tpu.memory_space<vmem>>, vector<16xi32>,
      %get3A_433 = arith.index_cast %mul3A_431 : i32 to index
      %get3A_434 = tpu.vector_load %arg7[%get3A_433] {strides = array<i32>} : memref<1024xf32, #tpu.memory_space<vmem>>, vector<16xf32>,
      %sub3A = arith.constant 1 : i32
      %sub3A_435 = vector.broadcast %sub3A : i32 to vector<16xi32>
      %sub3A_436 = arith.subi %get3A_432, %sub3A_435 : vector<16xi32>
      %max3A = arith.constant 0 : i32
      %max3A_437 = vector.broadcast %max3A : i32 to vector<16xi32>
      %max3A_438 = arith.maxsi %sub3A_436, %max3A_437 : vector<16xi32>
      %add3A_439 = vector.broadcast %mul3A_431 : i32 to vector<16xi32>
      %add3A_440 = arith.addi %add3A_439, %iota3A : vector<16xi32>
      %gather3A = tpu.vector_load_idx %arg6[%max3A_438, %add3A_440] : memref<32x1024xf32, #tpu.memory_space<vmem>>[vector<16xi32>, vector<16xi32>], vector<16xf32>,
      %eq3A = arith.constant 0 : i32
      %eq3A_441 = vector.broadcast %eq3A : i32 to vector<16xi32>
      %eq3A_442 = arith.cmpi eq, %get3A_432, %eq3A_441 : vector<16xi32>
      %select_n3A = arith.select %eq3A_442, %get3A_434, %gather3A : vector<16xi1>, vector<16xf32>
      %swap3A = arith.index_cast %mul3A_431 : i32 to index
      %swap3A_443 = tpu.vector_load %arg9[%swap3A] {strides = array<i32>} : memref<1024xf32, #tpu.memory_space<vmem>>, vector<16xf32>,
      tpu.vector_store %arg9[%swap3A], %select_n3A {strides = array<i32>} : memref<1024xf32, #tpu.memory_space<vmem>>, vector<16xf32>,
    }
    %scan3A_322 = arith.constant 64 : i32
    %add3A_323 = arith.constant 256 : i32
    %add3A_324 = arith.addi %add3A, %add3A_323 : i32
    %mul3A_325 = arith.constant 1024 : i32
    %mul3A_326 = arith.muli %add3A_324, %mul3A_325 : i32
    %multiple_of3A_327 = tpu.assume_multiple %mul3A_326, 128 : i32
    %dma_start3A_328 = tpu.memref_slice %arg5[%multiple_of3A_327] : memref<1000000xf32, #tpu.memory_space<hbm>> -> memref<1024xf32, #tpu.memory_space<hbm>>
    %dma_start3A_329 = tpu.memref_slice %arg5[%multiple_of3A_327] : memref<1000000xf32, #tpu.memory_space<hbm>> -> memref<1024xf32, #tpu.memory_space<hbm>>
    tpu.enqueue_dma source(%arg9 : memref<1024xf32, #tpu.memory_space<vmem>>) target(%dma_start3A_329 : memref<1024xf32, #tpu.memory_space<hbm>>) target_semaphore(%arg16 : memref<!tpu.dma_semaphore, #tpu.memory_space<semaphore_mem>>)
    %add3A_330 = arith.constant 320 : i32
    %add3A_331 = arith.addi %add3A, %add3A_330 : i32
    %mul3A_332 = arith.constant 1024 : i32
    %mul3A_333 = arith.muli %add3A_331, %mul3A_332 : i32
    %multiple_of3A_334 = tpu.assume_multiple %mul3A_333, 128 : i32
    %dma_start3A_335 = tpu.memref_slice %arg4[%multiple_of3A_334] : memref<1000000xi32, #tpu.memory_space<hbm>> -> memref<1024xi32, #tpu.memory_space<hbm>>
    %dma_start3A_336 = tpu.memref_slice %arg4[%multiple_of3A_334] : memref<1000000xi32, #tpu.memory_space<hbm>> -> memref<1024xi32, #tpu.memory_space<hbm>>
    tpu.enqueue_dma source(%dma_start3A_336 : memref<1024xi32, #tpu.memory_space<hbm>>) target(%arg8 : memref<1024xi32, #tpu.memory_space<vmem>>) target_semaphore(%arg14 : memref<!tpu.dma_semaphore, #tpu.memory_space<semaphore_mem>>)
    %dma_start3A_337 = tpu.memref_slice %arg2[%multiple_of3A_334] : memref<1000000xf32, #tpu.memory_space<hbm>> -> memref<1024xf32, #tpu.memory_space<hbm>>
    %dma_start3A_338 = tpu.memref_slice %arg2[%multiple_of3A_334] : memref<1000000xf32, #tpu.memory_space<hbm>> -> memref<1024xf32, #tpu.memory_space<hbm>>
    tpu.enqueue_dma source(%dma_start3A_338 : memref<1024xf32, #tpu.memory_space<hbm>>) target(%arg7 : memref<1024xf32, #tpu.memory_space<vmem>>) target_semaphore(%arg14 : memref<!tpu.dma_semaphore, #tpu.memory_space<semaphore_mem>>)
    %dma_start3A_339 = arith.constant 0 : i32
    %dma_start3A_340 = tpu.memref_slice %arg3[%dma_start3A_339, %multiple_of3A_334] : memref<32x1000000xf32, #tpu.memory_space<hbm>> -> memref<32x1024xf32, #tpu.memory_space<hbm>>
    %dma_start3A_341 = arith.constant 0 : i32
    %dma_start3A_342 = tpu.memref_slice %arg3[%dma_start3A_341, %multiple_of3A_334] : memref<32x1000000xf32, #tpu.memory_space<hbm>> -> memref<32x1024xf32, #tpu.memory_space<hbm>>
    tpu.enqueue_dma source(%dma_start3A_342 : memref<32x1024xf32, #tpu.memory_space<hbm>>) target(%arg6 : memref<32x1024xf32, #tpu.memory_space<vmem>>) target_semaphore(%arg14 : memref<!tpu.dma_semaphore, #tpu.memory_space<semaphore_mem>>)
    %dma_wait3A_343 = tpu.memref_slice %arg4[%multiple_of3A_298] : memref<1000000xi32, #tpu.memory_space<hbm>> -> memref<1024xi32, #tpu.memory_space<hbm>>
    %dma_wait3A_344 = tpu.memref_slice %arg4[%multiple_of3A_298] : memref<1000000xi32, #tpu.memory_space<hbm>> -> memref<1024xi32, #tpu.memory_space<hbm>>
    tpu.wait_dma2 semaphore(%arg15 : memref<!tpu.dma_semaphore, #tpu.memory_space<semaphore_mem>>) src(%dma_wait3A_344 : memref<1024xi32, #tpu.memory_space<hbm>>) dst(%arg12 : memref<1024xi32, #tpu.memory_space<vmem>>)
    %dma_wait3A_345 = tpu.memref_slice %arg2[%multiple_of3A_298] : memref<1000000xf32, #tpu.memory_space<hbm>> -> memref<1024xf32, #tpu.memory_space<hbm>>
    %dma_wait3A_346 = tpu.memref_slice %arg2[%multiple_of3A_298] : memref<1000000xf32, #tpu.memory_space<hbm>> -> memref<1024xf32, #tpu.memory_space<hbm>>
    tpu.wait_dma2 semaphore(%arg15 : memref<!tpu.dma_semaphore, #tpu.memory_space<semaphore_mem>>) src(%dma_wait3A_346 : memref<1024xf32, #tpu.memory_space<hbm>>) dst(%arg11 : memref<1024xf32, #tpu.memory_space<vmem>>)
    %dma_wait3A_347 = arith.constant 0 : i32
    %dma_wait3A_348 = tpu.memref_slice %arg3[%dma_wait3A_347, %multiple_of3A_298] : memref<32x1000000xf32, #tpu.memory_space<hbm>> -> memref<32x1024xf32, #tpu.memory_space<hbm>>
    %dma_wait3A_349 = arith.constant 0 : i32
    %dma_wait3A_350 = tpu.memref_slice %arg3[%dma_wait3A_349, %multiple_of3A_298] : memref<32x1000000xf32, #tpu.memory_space<hbm>> -> memref<32x1024xf32, #tpu.memory_space<hbm>>
    tpu.wait_dma2 semaphore(%arg15 : memref<!tpu.dma_semaphore, #tpu.memory_space<semaphore_mem>>) src(%dma_wait3A_350 : memref<32x1024xf32, #tpu.memory_space<hbm>>) dst(%arg10 : memref<32x1024xf32, #tpu.memory_space<vmem>>)
    %dma_wait3A_351 = tpu.memref_slice %arg5[%multiple_of3A_291] : memref<1000000xf32, #tpu.memory_space<hbm>> -> memref<1024xf32, #tpu.memory_space<hbm>>
    %dma_wait3A_352 = tpu.memref_slice %arg5[%multiple_of3A_291] : memref<1000000xf32, #tpu.memory_space<hbm>> -> memref<1024xf32, #tpu.memory_space<hbm>>
    tpu.wait_dma2 semaphore(%arg17 : memref<!tpu.dma_semaphore, #tpu.memory_space<semaphore_mem>>) src(%arg13 : memref<1024xf32, #tpu.memory_space<vmem>>) dst(%dma_wait3A_352 : memref<1024xf32, #tpu.memory_space<hbm>>)
    %scan3A_353 = arith.constant 0 : i32
    %scan3A_354 = arith.constant 0 : i32
    %scan3A_355 = arith.constant 64 : i32
    %scan3A_356 = arith.addi %scan3A_354, %scan3A_355 : i32
    %scan3A_357 = arith.constant 1 : i32
    scf.for %scan3A_429 = %scan3A_354 to %scan3A_356 step %scan3A_357  : i32 {
      %mul3A_430 = arith.constant 16 : i32
      %mul3A_431 = arith.muli %scan3A_429, %mul3A_430 : i32
      %get3A = arith.index_cast %mul3A_431 : i32 to index
      %get3A_432 = tpu.vector_load %arg12[%get3A] {strides = array<i32>} : memref<1024xi32, #tpu.memory_space<vmem>>, vector<16xi32>,
      %get3A_433 = arith.index_cast %mul3A_431 : i32 to index
      %get3A_434 = tpu.vector_load %arg11[%get3A_433] {strides = array<i32>} : memref<1024xf32, #tpu.memory_space<vmem>>, vector<16xf32>,
      %sub3A = arith.constant 1 : i32
      %sub3A_435 = vector.broadcast %sub3A : i32 to vector<16xi32>
      %sub3A_436 = arith.subi %get3A_432, %sub3A_435 : vector<16xi32>
      %max3A = arith.constant 0 : i32
      %max3A_437 = vector.broadcast %max3A : i32 to vector<16xi32>
      %max3A_438 = arith.maxsi %sub3A_436, %max3A_437 : vector<16xi32>
      %add3A_439 = vector.broadcast %mul3A_431 : i32 to vector<16xi32>
      %add3A_440 = arith.addi %add3A_439, %iota3A : vector<16xi32>
      %gather3A = tpu.vector_load_idx %arg10[%max3A_438, %add3A_440] : memref<32x1024xf32, #tpu.memory_space<vmem>>[vector<16xi32>, vector<16xi32>], vector<16xf32>,
      %eq3A = arith.constant 0 : i32
      %eq3A_441 = vector.broadcast %eq3A : i32 to vector<16xi32>
      %eq3A_442 = arith.cmpi eq, %get3A_432, %eq3A_441 : vector<16xi32>
      %select_n3A = arith.select %eq3A_442, %get3A_434, %gather3A : vector<16xi1>, vector<16xf32>
      %swap3A = arith.index_cast %mul3A_431 : i32 to index
      %swap3A_443 = tpu.vector_load %arg13[%swap3A] {strides = array<i32>} : memref<1024xf32, #tpu.memory_space<vmem>>, vector<16xf32>,
      tpu.vector_store %arg13[%swap3A], %select_n3A {strides = array<i32>} : memref<1024xf32, #tpu.memory_space<vmem>>, vector<16xf32>,
    }
    %scan3A_358 = arith.constant 64 : i32
    %add3A_359 = arith.constant 288 : i32
    %add3A_360 = arith.addi %add3A, %add3A_359 : i32
    %mul3A_361 = arith.constant 1024 : i32
    %mul3A_362 = arith.muli %add3A_360, %mul3A_361 : i32
    %multiple_of3A_363 = tpu.assume_multiple %mul3A_362, 128 : i32
    %dma_start3A_364 = tpu.memref_slice %arg5[%multiple_of3A_363] : memref<1000000xf32, #tpu.memory_space<hbm>> -> memref<1024xf32, #tpu.memory_space<hbm>>
    %dma_start3A_365 = tpu.memref_slice %arg5[%multiple_of3A_363] : memref<1000000xf32, #tpu.memory_space<hbm>> -> memref<1024xf32, #tpu.memory_space<hbm>>
    tpu.enqueue_dma source(%arg13 : memref<1024xf32, #tpu.memory_space<vmem>>) target(%dma_start3A_365 : memref<1024xf32, #tpu.memory_space<hbm>>) target_semaphore(%arg17 : memref<!tpu.dma_semaphore, #tpu.memory_space<semaphore_mem>>)
    %add3A_366 = arith.constant 352 : i32
    %add3A_367 = arith.addi %add3A, %add3A_366 : i32
    %mul3A_368 = arith.constant 1024 : i32
    %mul3A_369 = arith.muli %add3A_367, %mul3A_368 : i32
    %multiple_of3A_370 = tpu.assume_multiple %mul3A_369, 128 : i32
    %dma_start3A_371 = tpu.memref_slice %arg4[%multiple_of3A_370] : memref<1000000xi32, #tpu.memory_space<hbm>> -> memref<1024xi32, #tpu.memory_space<hbm>>
    %dma_start3A_372 = tpu.memref_slice %arg4[%multiple_of3A_370] : memref<1000000xi32, #tpu.memory_space<hbm>> -> memref<1024xi32, #tpu.memory_space<hbm>>
    tpu.enqueue_dma source(%dma_start3A_372 : memref<1024xi32, #tpu.memory_space<hbm>>) target(%arg12 : memref<1024xi32, #tpu.memory_space<vmem>>) target_semaphore(%arg15 : memref<!tpu.dma_semaphore, #tpu.memory_space<semaphore_mem>>)
    %dma_start3A_373 = tpu.memref_slice %arg2[%multiple_of3A_370] : memref<1000000xf32, #tpu.memory_space<hbm>> -> memref<1024xf32, #tpu.memory_space<hbm>>
    %dma_start3A_374 = tpu.memref_slice %arg2[%multiple_of3A_370] : memref<1000000xf32, #tpu.memory_space<hbm>> -> memref<1024xf32, #tpu.memory_space<hbm>>
    tpu.enqueue_dma source(%dma_start3A_374 : memref<1024xf32, #tpu.memory_space<hbm>>) target(%arg11 : memref<1024xf32, #tpu.memory_space<vmem>>) target_semaphore(%arg15 : memref<!tpu.dma_semaphore, #tpu.memory_space<semaphore_mem>>)
    %dma_start3A_375 = arith.constant 0 : i32
    %dma_start3A_376 = tpu.memref_slice %arg3[%dma_start3A_375, %multiple_of3A_370] : memref<32x1000000xf32, #tpu.memory_space<hbm>> -> memref<32x1024xf32, #tpu.memory_space<hbm>>
    %dma_start3A_377 = arith.constant 0 : i32
    %dma_start3A_378 = tpu.memref_slice %arg3[%dma_start3A_377, %multiple_of3A_370] : memref<32x1000000xf32, #tpu.memory_space<hbm>> -> memref<32x1024xf32, #tpu.memory_space<hbm>>
    tpu.enqueue_dma source(%dma_start3A_378 : memref<32x1024xf32, #tpu.memory_space<hbm>>) target(%arg10 : memref<32x1024xf32, #tpu.memory_space<vmem>>) target_semaphore(%arg15 : memref<!tpu.dma_semaphore, #tpu.memory_space<semaphore_mem>>)
    %dma_wait3A_379 = tpu.memref_slice %arg4[%multiple_of3A_334] : memref<1000000xi32, #tpu.memory_space<hbm>> -> memref<1024xi32, #tpu.memory_space<hbm>>
    %dma_wait3A_380 = tpu.memref_slice %arg4[%multiple_of3A_334] : memref<1000000xi32, #tpu.memory_space<hbm>> -> memref<1024xi32, #tpu.memory_space<hbm>>
    tpu.wait_dma2 semaphore(%arg14 : memref<!tpu.dma_semaphore, #tpu.memory_space<semaphore_mem>>) src(%dma_wait3A_380 : memref<1024xi32, #tpu.memory_space<hbm>>) dst(%arg8 : memref<1024xi32, #tpu.memory_space<vmem>>)
    %dma_wait3A_381 = tpu.memref_slice %arg2[%multiple_of3A_334] : memref<1000000xf32, #tpu.memory_space<hbm>> -> memref<1024xf32, #tpu.memory_space<hbm>>
    %dma_wait3A_382 = tpu.memref_slice %arg2[%multiple_of3A_334] : memref<1000000xf32, #tpu.memory_space<hbm>> -> memref<1024xf32, #tpu.memory_space<hbm>>
    tpu.wait_dma2 semaphore(%arg14 : memref<!tpu.dma_semaphore, #tpu.memory_space<semaphore_mem>>) src(%dma_wait3A_382 : memref<1024xf32, #tpu.memory_space<hbm>>) dst(%arg7 : memref<1024xf32, #tpu.memory_space<vmem>>)
    %dma_wait3A_383 = arith.constant 0 : i32
    %dma_wait3A_384 = tpu.memref_slice %arg3[%dma_wait3A_383, %multiple_of3A_334] : memref<32x1000000xf32, #tpu.memory_space<hbm>> -> memref<32x1024xf32, #tpu.memory_space<hbm>>
    %dma_wait3A_385 = arith.constant 0 : i32
    %dma_wait3A_386 = tpu.memref_slice %arg3[%dma_wait3A_385, %multiple_of3A_334] : memref<32x1000000xf32, #tpu.memory_space<hbm>> -> memref<32x1024xf32, #tpu.memory_space<hbm>>
    tpu.wait_dma2 semaphore(%arg14 : memref<!tpu.dma_semaphore, #tpu.memory_space<semaphore_mem>>) src(%dma_wait3A_386 : memref<32x1024xf32, #tpu.memory_space<hbm>>) dst(%arg6 : memref<32x1024xf32, #tpu.memory_space<vmem>>)
    %dma_wait3A_387 = tpu.memref_slice %arg5[%multiple_of3A_327] : memref<1000000xf32, #tpu.memory_space<hbm>> -> memref<1024xf32, #tpu.memory_space<hbm>>
    %dma_wait3A_388 = tpu.memref_slice %arg5[%multiple_of3A_327] : memref<1000000xf32, #tpu.memory_space<hbm>> -> memref<1024xf32, #tpu.memory_space<hbm>>
    tpu.wait_dma2 semaphore(%arg16 : memref<!tpu.dma_semaphore, #tpu.memory_space<semaphore_mem>>) src(%arg9 : memref<1024xf32, #tpu.memory_space<vmem>>) dst(%dma_wait3A_388 : memref<1024xf32, #tpu.memory_space<hbm>>)
    %scan3A_389 = arith.constant 0 : i32
    %scan3A_390 = arith.constant 0 : i32
    %scan3A_391 = arith.constant 64 : i32
    %scan3A_392 = arith.addi %scan3A_390, %scan3A_391 : i32
    %scan3A_393 = arith.constant 1 : i32
    scf.for %scan3A_429 = %scan3A_390 to %scan3A_392 step %scan3A_393  : i32 {
      %mul3A_430 = arith.constant 16 : i32
      %mul3A_431 = arith.muli %scan3A_429, %mul3A_430 : i32
      %get3A = arith.index_cast %mul3A_431 : i32 to index
      %get3A_432 = tpu.vector_load %arg8[%get3A] {strides = array<i32>} : memref<1024xi32, #tpu.memory_space<vmem>>, vector<16xi32>,
      %get3A_433 = arith.index_cast %mul3A_431 : i32 to index
      %get3A_434 = tpu.vector_load %arg7[%get3A_433] {strides = array<i32>} : memref<1024xf32, #tpu.memory_space<vmem>>, vector<16xf32>,
      %sub3A = arith.constant 1 : i32
      %sub3A_435 = vector.broadcast %sub3A : i32 to vector<16xi32>
      %sub3A_436 = arith.subi %get3A_432, %sub3A_435 : vector<16xi32>
      %max3A = arith.constant 0 : i32
      %max3A_437 = vector.broadcast %max3A : i32 to vector<16xi32>
      %max3A_438 = arith.maxsi %sub3A_436, %max3A_437 : vector<16xi32>
      %add3A_439 = vector.broadcast %mul3A_431 : i32 to vector<16xi32>
      %add3A_440 = arith.addi %add3A_439, %iota3A : vector<16xi32>
      %gather3A = tpu.vector_load_idx %arg6[%max3A_438, %add3A_440] : memref<32x1024xf32, #tpu.memory_space<vmem>>[vector<16xi32>, vector<16xi32>], vector<16xf32>,
      %eq3A = arith.constant 0 : i32
      %eq3A_441 = vector.broadcast %eq3A : i32 to vector<16xi32>
      %eq3A_442 = arith.cmpi eq, %get3A_432, %eq3A_441 : vector<16xi32>
      %select_n3A = arith.select %eq3A_442, %get3A_434, %gather3A : vector<16xi1>, vector<16xf32>
      %swap3A = arith.index_cast %mul3A_431 : i32 to index
      %swap3A_443 = tpu.vector_load %arg9[%swap3A] {strides = array<i32>} : memref<1024xf32, #tpu.memory_space<vmem>>, vector<16xf32>,
      tpu.vector_store %arg9[%swap3A], %select_n3A {strides = array<i32>} : memref<1024xf32, #tpu.memory_space<vmem>>, vector<16xf32>,
    }
    %scan3A_394 = arith.constant 64 : i32
    %add3A_395 = arith.constant 320 : i32
    %add3A_396 = arith.addi %add3A, %add3A_395 : i32
    %mul3A_397 = arith.constant 1024 : i32
    %mul3A_398 = arith.muli %add3A_396, %mul3A_397 : i32
    %multiple_of3A_399 = tpu.assume_multiple %mul3A_398, 128 : i32
    %dma_start3A_400 = tpu.memref_slice %arg5[%multiple_of3A_399] : memref<1000000xf32, #tpu.memory_space<hbm>> -> memref<1024xf32, #tpu.memory_space<hbm>>
    %dma_start3A_401 = tpu.memref_slice %arg5[%multiple_of3A_399] : memref<1000000xf32, #tpu.memory_space<hbm>> -> memref<1024xf32, #tpu.memory_space<hbm>>
    tpu.enqueue_dma source(%arg9 : memref<1024xf32, #tpu.memory_space<vmem>>) target(%dma_start3A_401 : memref<1024xf32, #tpu.memory_space<hbm>>) target_semaphore(%arg16 : memref<!tpu.dma_semaphore, #tpu.memory_space<semaphore_mem>>)
    %dma_wait3A_402 = tpu.memref_slice %arg4[%multiple_of3A_370] : memref<1000000xi32, #tpu.memory_space<hbm>> -> memref<1024xi32, #tpu.memory_space<hbm>>
    %dma_wait3A_403 = tpu.memref_slice %arg4[%multiple_of3A_370] : memref<1000000xi32, #tpu.memory_space<hbm>> -> memref<1024xi32, #tpu.memory_space<hbm>>
    tpu.wait_dma2 semaphore(%arg15 : memref<!tpu.dma_semaphore, #tpu.memory_space<semaphore_mem>>) src(%dma_wait3A_403 : memref<1024xi32, #tpu.memory_space<hbm>>) dst(%arg12 : memref<1024xi32, #tpu.memory_space<vmem>>)
    %dma_wait3A_404 = tpu.memref_slice %arg2[%multiple_of3A_370] : memref<1000000xf32, #tpu.memory_space<hbm>> -> memref<1024xf32, #tpu.memory_space<hbm>>
    %dma_wait3A_405 = tpu.memref_slice %arg2[%multiple_of3A_370] : memref<1000000xf32, #tpu.memory_space<hbm>> -> memref<1024xf32, #tpu.memory_space<hbm>>
    tpu.wait_dma2 semaphore(%arg15 : memref<!tpu.dma_semaphore, #tpu.memory_space<semaphore_mem>>) src(%dma_wait3A_405 : memref<1024xf32, #tpu.memory_space<hbm>>) dst(%arg11 : memref<1024xf32, #tpu.memory_space<vmem>>)
    %dma_wait3A_406 = arith.constant 0 : i32
    %dma_wait3A_407 = tpu.memref_slice %arg3[%dma_wait3A_406, %multiple_of3A_370] : memref<32x1000000xf32, #tpu.memory_space<hbm>> -> memref<32x1024xf32, #tpu.memory_space<hbm>>
    %dma_wait3A_408 = arith.constant 0 : i32
    %dma_wait3A_409 = tpu.memref_slice %arg3[%dma_wait3A_408, %multiple_of3A_370] : memref<32x1000000xf32, #tpu.memory_space<hbm>> -> memref<32x1024xf32, #tpu.memory_space<hbm>>
    tpu.wait_dma2 semaphore(%arg15 : memref<!tpu.dma_semaphore, #tpu.memory_space<semaphore_mem>>) src(%dma_wait3A_409 : memref<32x1024xf32, #tpu.memory_space<hbm>>) dst(%arg10 : memref<32x1024xf32, #tpu.memory_space<vmem>>)
    %dma_wait3A_410 = tpu.memref_slice %arg5[%multiple_of3A_363] : memref<1000000xf32, #tpu.memory_space<hbm>> -> memref<1024xf32, #tpu.memory_space<hbm>>
    %dma_wait3A_411 = tpu.memref_slice %arg5[%multiple_of3A_363] : memref<1000000xf32, #tpu.memory_space<hbm>> -> memref<1024xf32, #tpu.memory_space<hbm>>
    tpu.wait_dma2 semaphore(%arg17 : memref<!tpu.dma_semaphore, #tpu.memory_space<semaphore_mem>>) src(%arg13 : memref<1024xf32, #tpu.memory_space<vmem>>) dst(%dma_wait3A_411 : memref<1024xf32, #tpu.memory_space<hbm>>)
    %scan3A_412 = arith.constant 0 : i32
    %scan3A_413 = arith.constant 0 : i32
    %scan3A_414 = arith.constant 64 : i32
    %scan3A_415 = arith.addi %scan3A_413, %scan3A_414 : i32
    %scan3A_416 = arith.constant 1 : i32
    scf.for %scan3A_429 = %scan3A_413 to %scan3A_415 step %scan3A_416  : i32 {
      %mul3A_430 = arith.constant 16 : i32
      %mul3A_431 = arith.muli %scan3A_429, %mul3A_430 : i32
      %get3A = arith.index_cast %mul3A_431 : i32 to index
      %get3A_432 = tpu.vector_load %arg12[%get3A] {strides = array<i32>} : memref<1024xi32, #tpu.memory_space<vmem>>, vector<16xi32>,
      %get3A_433 = arith.index_cast %mul3A_431 : i32 to index
      %get3A_434 = tpu.vector_load %arg11[%get3A_433] {strides = array<i32>} : memref<1024xf32, #tpu.memory_space<vmem>>, vector<16xf32>,
      %sub3A = arith.constant 1 : i32
      %sub3A_435 = vector.broadcast %sub3A : i32 to vector<16xi32>
      %sub3A_436 = arith.subi %get3A_432, %sub3A_435 : vector<16xi32>
      %max3A = arith.constant 0 : i32
      %max3A_437 = vector.broadcast %max3A : i32 to vector<16xi32>
      %max3A_438 = arith.maxsi %sub3A_436, %max3A_437 : vector<16xi32>
      %add3A_439 = vector.broadcast %mul3A_431 : i32 to vector<16xi32>
      %add3A_440 = arith.addi %add3A_439, %iota3A : vector<16xi32>
      %gather3A = tpu.vector_load_idx %arg10[%max3A_438, %add3A_440] : memref<32x1024xf32, #tpu.memory_space<vmem>>[vector<16xi32>, vector<16xi32>], vector<16xf32>,
      %eq3A = arith.constant 0 : i32
      %eq3A_441 = vector.broadcast %eq3A : i32 to vector<16xi32>
      %eq3A_442 = arith.cmpi eq, %get3A_432, %eq3A_441 : vector<16xi32>
      %select_n3A = arith.select %eq3A_442, %get3A_434, %gather3A : vector<16xi1>, vector<16xf32>
      %swap3A = arith.index_cast %mul3A_431 : i32 to index
      %swap3A_443 = tpu.vector_load %arg13[%swap3A] {strides = array<i32>} : memref<1024xf32, #tpu.memory_space<vmem>>, vector<16xf32>,
      tpu.vector_store %arg13[%swap3A], %select_n3A {strides = array<i32>} : memref<1024xf32, #tpu.memory_space<vmem>>, vector<16xf32>,
    }
    %scan3A_417 = arith.constant 64 : i32
    %add3A_418 = arith.constant 352 : i32
    %add3A_419 = arith.addi %add3A, %add3A_418 : i32
    %mul3A_420 = arith.constant 1024 : i32
    %mul3A_421 = arith.muli %add3A_419, %mul3A_420 : i32
    %multiple_of3A_422 = tpu.assume_multiple %mul3A_421, 128 : i32
    %dma_start3A_423 = tpu.memref_slice %arg5[%multiple_of3A_422] : memref<1000000xf32, #tpu.memory_space<hbm>> -> memref<1024xf32, #tpu.memory_space<hbm>>
    %dma_start3A_424 = tpu.memref_slice %arg5[%multiple_of3A_422] : memref<1000000xf32, #tpu.memory_space<hbm>> -> memref<1024xf32, #tpu.memory_space<hbm>>
    tpu.enqueue_dma source(%arg13 : memref<1024xf32, #tpu.memory_space<vmem>>) target(%dma_start3A_424 : memref<1024xf32, #tpu.memory_space<hbm>>) target_semaphore(%arg17 : memref<!tpu.dma_semaphore, #tpu.memory_space<semaphore_mem>>)
    %dma_wait3A_425 = tpu.memref_slice %arg5[%multiple_of3A_399] : memref<1000000xf32, #tpu.memory_space<hbm>> -> memref<1024xf32, #tpu.memory_space<hbm>>
    %dma_wait3A_426 = tpu.memref_slice %arg5[%multiple_of3A_399] : memref<1000000xf32, #tpu.memory_space<hbm>> -> memref<1024xf32, #tpu.memory_space<hbm>>
    tpu.wait_dma2 semaphore(%arg16 : memref<!tpu.dma_semaphore, #tpu.memory_space<semaphore_mem>>) src(%arg9 : memref<1024xf32, #tpu.memory_space<vmem>>) dst(%dma_wait3A_426 : memref<1024xf32, #tpu.memory_space<hbm>>)
    %dma_wait3A_427 = tpu.memref_slice %arg5[%multiple_of3A_422] : memref<1000000xf32, #tpu.memory_space<hbm>> -> memref<1024xf32, #tpu.memory_space<hbm>>
    %dma_wait3A_428 = tpu.memref_slice %arg5[%multiple_of3A_422] : memref<1000000xf32, #tpu.memory_space<hbm>> -> memref<1024xf32, #tpu.memory_space<hbm>>
    tpu.wait_dma2 semaphore(%arg17 : memref<!tpu.dma_semaphore, #tpu.memory_space<semaphore_mem>>) src(%arg13 : memref<1024xf32, #tpu.memory_space<vmem>>) dst(%dma_wait3A_428 : memref<1024xf32, #tpu.memory_space<hbm>>)
    return
  }
}

module attributes {stable_mosaic.version = 14 : i64} {
  func.func @_tc_body(%arg0: i32, %arg1: memref<65536xf32, #tpu.memory_space<vmem>>, %arg2: memref<65536xi32, #tpu.memory_space<vmem>>, %arg3: memref<32x65536xf32, #tpu.memory_space<vmem>>, %arg4: memref<65536xf32, #tpu.memory_space<vmem>>) attributes {dimension_semantics = [#tpu.dimension_semantics<arbitrary>], iteration_bounds = array<i64: 10>, scalar_prefetch = 0 : i64, scratch_operands = 0 : i64, tpu.core_type = #tpu.core_type<tc>, window_params = [{transform_indices = @transform_0, window_bounds = array<i64: 65536>}, {transform_indices = @transform_1, window_bounds = array<i64: 65536>}, {transform_indices = @transform_2, window_bounds = array<i64: 32, 65536>}, {transform_indices = @transform_3, window_bounds = array<i64: 65536>}]} {
    %get3A = arith.constant 0 : index
    %get3A_0 = vector.load %arg2[%get3A] : memref<65536xi32, #tpu.memory_space<vmem>>, vector<65536xi32>
    %iota3A = tpu.iota {dimensions = array<i32: 0>} : vector<32x65536xi32>
    %sub3A = arith.constant 1 : i32
    %sub3A_1 = vector.broadcast %sub3A : i32 to vector<65536xi32>
    %sub3A_2 = arith.subi %get3A_0, %sub3A_1 : vector<65536xi32>
    %broadcast_in_dim3A = vector.shape_cast %sub3A_2 : vector<65536xi32> to vector<1x65536xi32>
    %eq3A = vector.broadcast %broadcast_in_dim3A : vector<1x65536xi32> to vector<32x65536xi32>
    %eq3A_3 = arith.cmpi eq, %iota3A, %eq3A : vector<32x65536xi32>
    %get3A_4 = arith.constant 0 : index
    %get3A_5 = arith.constant 0 : index
    %get3A_6 = vector.load %arg3[%get3A_4, %get3A_5] : memref<32x65536xf32, #tpu.memory_space<vmem>>, vector<32x65536xf32>
    %jit3A = arith.constant 0.000000e+00 : f32
    %broadcast_in_dim3A_7 = vector.broadcast %jit3A : f32 to vector<32x65536xf32>
    %select_n3A = arith.select %eq3A_3, %get3A_6, %broadcast_in_dim3A_7 : vector<32x65536xi1>, vector<32x65536xf32>
    %reduce_sum3A = arith.constant dense<0.000000e+00> : vector<65536xf32>
    %reduce_sum3A_8 = vector.multi_reduction <add>, %select_n3A, %reduce_sum3A [0] : vector<32x65536xf32> to vector<65536xf32>
    %eq3A_9 = arith.constant 0 : i32
    %eq3A_10 = vector.broadcast %eq3A_9 : i32 to vector<65536xi32>
    %eq3A_11 = arith.cmpi eq, %get3A_0, %eq3A_10 : vector<65536xi32>
    %get3A_12 = arith.constant 0 : index
    %get3A_13 = vector.load %arg1[%get3A_12] : memref<65536xf32, #tpu.memory_space<vmem>>, vector<65536xf32>
    %select_n3A_14 = arith.select %eq3A_11, %get3A_13, %reduce_sum3A_8 : vector<65536xi1>, vector<65536xf32>
    %swap3A = arith.constant 0 : index
    %swap3A_15 = vector.load %arg4[%swap3A] : memref<65536xf32, #tpu.memory_space<vmem>>, vector<65536xf32>
    tpu.vector_store %arg4[%swap3A], %select_n3A_14 {strides = array<i32>} : memref<65536xf32, #tpu.memory_space<vmem>>, vector<65536xf32>,
    return
  }
  func.func @transform_0(%arg0: i32) -> i32 {
    %add3A = arith.constant 6 : i32
    %add3A_0 = arith.addi %arg0, %add3A : i32
    %c0_i32 = arith.constant 0 : i32
    return %add3A_0 : i32
  }
  func.func @transform_1(%arg0: i32) -> i32 {
    %add3A = arith.constant 6 : i32
    %add3A_0 = arith.addi %arg0, %add3A : i32
    %c0_i32 = arith.constant 0 : i32
    return %add3A_0 : i32
  }
  func.func @transform_2(%arg0: i32) -> (i32, i32) {
    %add3A = arith.constant 6 : i32
    %add3A_0 = arith.addi %arg0, %add3A : i32
    %c0_i32 = arith.constant 0 : i32
    %c0_i32_1 = arith.constant 0 : i32
    return %c0_i32, %add3A_0 : i32, i32
  }
  func.func @transform_3(%arg0: i32) -> i32 {
    %c0_i32 = arith.constant 0 : i32
    return %arg0 : i32
  }
}

</mosaic_0001>

<sc_bundles>
// kernel: _axon.4.cloned.1.call-start
scs
__scs_entry_jumppad:
0x0: {  	(pc) =	sbr.rel $0x88, $3  }
0x1: {  	(tag) =	ssettag $0x0;
	lr =	simm.s32 $0x1  }
0x2: {  	[smem:$0x3F9E] =	sst lr;
	_ =	strace $0xD0000000  }
0x3: {  	_ = 	snop  }
0x4: {  	_ = 	snop  }
0x5: {  	_ = 	snop  }
0x6: {  	_ = 	snop  }
0x7: {  	_ = 	snop  }
__scs_overlays_trampoline_lowered:
0x8: {  	[smem:$0x3FAD] =	sst s0  }
0x9: {  	[smem:$0x3FAE] =	sst s1  }
0xa: {  	[smem:$0x3FAF] =	sst s2  }
0xb: {  	[smem:$0x3FB0] =	sst s3  }
0xc: {  	[smem:$0x3FB1] =	sst s4  }
0xd: {  	[smem:$0x3FB2] =	sst s5  }
0xe: {  	[smem:$0x3FB3] =	sst s6  }
0xf: {  	[smem:$0x3FB4] =	sst s7  }
0x10: {  	[smem:$0x3FB5] =	sst s8  }
0x11: {  	[smem:$0x3FB6] =	sst s9;
	s0 =	simm.s32 @!p0 $0x0  }
0x12: {  	s1 =	sld [smem:$0x3F9C];
	s0 =	simm.s32 @p0 $0x1  }
0x13: {  	[smem:$0x3FB7] =	sst s0;
	s0 =	simm.s32 @!p1 $0x0  }
0x14: {  	s2 =	sld [smem:$0x3F9B];
	s0 =	simm.s32 @p1 $0x1  }
0x15: {  	[smem:$0x3FB8] =	sst s0;
	s0 =	simm.s32 @!p2 $0x0  }
0x16: {  	s3 =	sld [smem:$0x3FDB];
	s0 =	simm.s32 @p2 $0x1  }
0x17: {  	s4 =	simm.s32 $0x1BF5;
	[smem:$0x3FBA] =	sst s0  }
0x18: {  	s0 =	sld [smem:$0x3F9D];
	_ =	swait.ge [sflag:s4], $0x0  }
0x19: {  	s7 =	sld [smem:$0x3F9E]  }
0x1a: {  	s8 =	sadd.s32 $0xFFFFE003, lr  }
0x1b: {  	s9 =	sadd.s32 $0xFFFFFEF7, lr;
	s5 =	simm.s32 $0xFFFFFFFF;
	p2 =	slt.u32 s8, $0xFFFFF086  }
0x1c: {  	p1 =	slt.u32 s9, $0xF7A;
	s5 =	simm.s32 @!p2 $0x0  }
0x1d: {  	s5 =	simm.s32 @p1 $0x1;
	p0 =	seq.s32 s7, s2  }
0x1e: {  	s7 =	smul.u32 @!p0 $0xF7A, s2;
	p2 =	seq.s32 @!p0 s5, $0x0  }
0x1f: {  	s9 =	smul.u32 $0xF7A, s1;
	s8 =	simm.s32 @!p0 $0x1BF5;
	p2 =	por !p2, p0  }
0x20: {  	[sflag:s8] =	ssyncset.s32 @!p0 $0xFFFFF086;
	s6 =	sadd.s32 @!p0 s3, s7;
	s7 =	simm.s32 @!p0 $0x108  }
0x21: {  	s3 =	sadd.s32 s3, s9;
	s6 =	sadd.s32 @!p0 $0x88, s6;
	s7 =	simm.s32 @p2 $0x1082  }
0x22: {  	[simem:s7], [sflag:s8] =	dma.local @!p0 [hbm:s6], $0xF7A  }
0x23: {  	s9 =	sor.u32 $0xD0000000, s2;
	s6 =	simm.s32 $0x108;
	_ =	swait.ge @!p0 [sflag:s8], $0x0  }
0x24: {  	s3 =	sadd.s32 $0x88, s3;
	s6 =	simm.s32 @!p1 $0x1082;
	[sflag:s4] =	ssyncset.s32 $0xFFFFF086  }
0x25: {  	[simem:s6], [sflag:s4] =	dma.local [hbm:s3], $0xF7A  }
0x26: {  	[smem:$0x3F9E] =	sst s1;
	(tag) =	ssettag s2;
	_ =	strace s9  }
0x27: {  	s1 =	sld [smem:$0x3FAE]  }
0x28: {  	s2 =	sld [smem:$0x3FAF]  }
0x29: {  	s4 =	sld [smem:$0x3FB1]  }
0x2a: {  	p0 =	seq.s32 s5, $0x0;
	s5 =	sld [smem:$0x3FB2]  }
0x2b: {  	s6 =	sld [smem:$0x3FB3]  }
0x2c: {  	s7 =	sld [smem:$0x3FB4]  }
0x2d: {  	s3 =	simm.s32 $0x108;
	s8 =	sld [smem:$0x3FB5]  }
0x2e: {  	s3 =	simm.s32 @!p0 $0x1082;
	s9 =	sld [smem:$0x3FB6]  }
0x2f: {  	lr =	sadd.s32 s0, s3;
	s0 =	sld [smem:$0x3FAD]  }
0x30: {  	s3 =	sld [smem:$0x3FB0]  }
0x31: {  	[smem:$0x3FB9] =	sst s10  }
0x32: {  	s10 =	sld [smem:$0x3FB7];
	_ =	sdelay $0x3  }
0x33: {  	p0 =	seq.s32 s10, $0x1;
	s10 =	sld [smem:$0x3FB9];
	_ =	sdelay $0x3  }
0x34: {  	[smem:$0x3FB9] =	sst s10  }
0x35: {  	s10 =	sld [smem:$0x3FB8];
	_ =	sdelay $0x3  }
0x36: {  	p1 =	seq.s32 s10, $0x1;
	s10 =	sld [smem:$0x3FB9];
	_ =	sdelay $0x3  }
0x37: {  	[smem:$0x3FB9] =	sst s10  }
0x38: {  	s10 =	sld [smem:$0x3FBA]  }
0x39: {  	_ = 	snop;
	(pc) =	sbr.ind lr, $3  }
0x3a: {  	_ = 	snop  }
0x3b: {  	_ = 	snop  }
0x3c: {  	p2 =	seq.s32 s10, $0x1;
	s10 =	sld [smem:$0x3FB9]  }
0x3d: {  	_ =	shalt  }
0x3e: {  	_ =	shalt  }
0x3f: {  	_ =	shalt  }
0x40: {  	_ =	shalt  }
0x41: {  	_ =	shalt  }
0x42: {  	_ =	shalt  }
0x43: {  	_ =	shalt  }
0x44: {  	_ =	shalt  }
0x45: {  	_ =	shalt  }
0x46: {  	_ =	shalt  }
0x47: {  	_ =	shalt  }
0x48: {  	_ =	shalt  }
0x49: {  	_ =	shalt  }
0x4a: {  	_ =	shalt  }
0x4b: {  	_ =	shalt  }
0x4c: {  	_ =	shalt  }
0x4d: {  	_ =	shalt  }
0x4e: {  	_ =	shalt  }
0x4f: {  	_ =	shalt  }
0x50: {  	_ =	shalt  }
0x51: {  	_ =	shalt  }
0x52: {  	_ =	shalt  }
0x53: {  	_ =	shalt  }
0x54: {  	_ =	shalt  }
0x55: {  	_ =	shalt  }
0x56: {  	_ =	shalt  }
0x57: {  	_ =	shalt  }
0x58: {  	_ =	shalt  }
0x59: {  	_ =	shalt  }
0x5a: {  	_ =	shalt  }
0x5b: {  	_ =	shalt  }
0x5c: {  	_ =	shalt  }
0x5d: {  	_ =	shalt  }
0x5e: {  	_ =	shalt  }
0x5f: {  	_ =	shalt  }
0x60: {  	_ =	shalt  }
0x61: {  	_ =	shalt  }
0x62: {  	_ =	shalt  }
0x63: {  	_ =	shalt  }
0x64: {  	_ =	shalt  }
0x65: {  	_ =	shalt  }
0x66: {  	_ =	shalt  }
0x67: {  	_ =	shalt  }
0x68: {  	_ =	shalt  }
0x69: {  	_ =	shalt  }
0x6a: {  	_ =	shalt  }
0x6b: {  	_ =	shalt  }
0x6c: {  	_ =	shalt  }
0x6d: {  	_ =	shalt  }
0x6e: {  	_ =	shalt  }
0x6f: {  	_ =	shalt  }
0x70: {  	_ =	shalt  }
0x71: {  	_ =	shalt  }
0x72: {  	_ =	shalt  }
0x73: {  	_ =	shalt  }
0x74: {  	_ =	shalt  }
0x75: {  	_ =	shalt  }
0x76: {  	_ =	shalt  }
0x77: {  	_ =	shalt  }
0x78: {  	_ =	shalt  }
0x79: {  	_ =	shalt  }
0x7a: {  	_ =	shalt  }
0x7b: {  	_ =	shalt  }
0x7c: {  	_ =	shalt  }
0x7d: {  	_ =	shalt  }
0x7e: {  	_ =	shalt  }
0x7f: {  	_ =	shalt  }
0x80: {  	_ =	shalt  }
0x81: {  	_ =	shalt  }
0x82: {  	_ =	shalt  }
0x83: {  	_ =	shalt  }
0x84: {  	_ =	shalt  }
0x85: {  	_ =	shalt  }
0x86: {  	_ =	shalt  }
0x87: {  	_ =	shalt  }
.Lfunc_end0:
.L_simem_size_0:
called_computation_lowered:
.L_overlay_start_0:
0x88: {  	s2 =	sld [smem:$0x3FD9]  }
0x89: {  	s3 =	sld [smem:$0x3FFE];
	_ =	sdelay $0x1  }
0x8a: {  	s1 =	srdreg.scid  }
0x8b: {  	s0 =	sand.u32 $0x1, s1  }
0x8c: {  	s18 =	sshll.u32 s0, $0xA;
	s2 =	sadd.s32 s3, s2  }
0x8d: {  	s2 =	sadd.s32 s2, s18  }
0x8e: {  	[smem:$0x3FC5] =	sst s2  }
0x8f: {  	_ = 	snop  }
0x90: {  	s2 =	sld [smem:$0x3FC9]  }
0x91: {  	s19 =	sld [smem:$0x3FC8]  }
0x92: {  	s4 =	sld [smem:$0x3FC7]  }
0x93: {  	s5 =	sld [smem:$0x3FD0];
	(tm) =	ssettm $0x1  }
0x94: {  	s6 =	sld [smem:$0x3FFB];
	_ =	sdelay $0x3  }
0x95: {  	_ =	strace s6  }
0x96: {  	s6 =	sld [smem:$0x3FFC];
	_ =	sdelay $0x3  }
0x97: {  	_ =	strace s6  }
0x98: {  	s6 =	sld [smem:$0x3FFD];
	_ =	sdelay $0x3  }
0x99: {  	_ =	strace s6  }
0x9a: {  	_ =	strace $0x8FFFFFFF  }
0x9b: {  	s20 =	sld [smem:$0x3FDB];
	_ =	sdelay $0x1  }
0x9c: {  	s7 =	simm.s32 $_scs_section_size  }
0x9d: {  	s8 =	simm.s32 $_size__tile_overlayer_lowered;
	s9 =	simm.s32 $_tile_overlayer_lowered  }
0x9e: {  	s23 =	simm.s32 $0x1BFF;
	s22 =	sshll.u32 s9, $0x1;
	s6 =	sadd.s32 s7, s20  }
0x9f: {  	s10 =	simm.s32 $0x0;
	s21 =	sshll.u32 s8, $0x1;
	s8 =	sadd.s32 s22, s6  }
0xa0: {  	[timem:s10], [sflag:s23] =	dma.local [hbm:s8], s21  }
0xa1: {  	_ =	swait.ge [sflag:s23], s21  }
0xa2: {  	s7 =	ssub.s32 $0x0, s21;
	[sflag:s23] =	ssyncset.done $0x0  }
0xa3: {  	[sflag:s23] =	ssyncadd.s32 s7;
	_ =	sdelay $0x1  }
0xa4: {  	s24 =	simm.s32 $0x1B8B  }
0xa5: {  	_ =	swait.ge [sflag:s24], $0x1  }
0xa6: {  	[sflag:s24] =	ssyncset.done $0x0  }
0xa7: {  	s25 =	simm.s32 $0x1B8E;
	[sflag:s24] =	ssyncadd.s32 $0xFFFFFFFF  }
0xa8: {  	s26 =	simm.s32 $execute0_lowered;
	[smem:$0x3FD2] =	sst s25  }
0xa9: {  	s7 =	sshll.u32 s26, $0x1;
	_ =	strace $0x80000046;
	[dreg:$0x1] =	wrdreg $0xFFFFFFFF  }
0xaa: {  	s28 =	simm.s32 $_size_execute0_lowered;
	s6 =	sadd.s32 s6, s7;
	[dreg:$0x0] =	wrdreg $0x0  }
0xab: {  	s7 =	sshll.u32 s28, $0x1;
	[dreg:$0x2] =	wrdreg s6  }
0xac: {  	[dreg:$0x3] =	wrdreg s7  }
0xad: {  	[dreg:$0x4] =	wrdreg $0xC0  }
0xae: {  	_ =	task [dreg:s10], $0x5FFFF  }
0xaf: {  	[dreg:$0x1] =	wrdreg $0xFFFFFFFF  }
0xb0: {  	[dreg:$0x0] =	wrdreg $0x60  }
0xb1: {  	[dreg:$0x2] =	wrdreg s2  }
0xb2: {  	[dreg:$0x3] =	wrdreg s19  }
0xb3: {  	[dreg:$0x4] =	wrdreg s4  }
0xb4: {  	[dreg:$0x5] =	wrdreg s5  }
0xb5: {  	[dreg:$0x6] =	wrdreg $0x9  }
0xb6: {  	_ =	task.clear_ibuf [dreg:s10], $0x7FFFF;
	_ =	strace $0x90000046  }
0xb7: {  	s29 =	simm.s32 $0x9;
	_ =	strace $0x80000048  }
0xb8: {  	_ =	swait.ge [sflag:s29], $0x1  }
0xb9: {  	[sflag:s29] =	ssyncadd.s32 $0xFFFFFFFF  }
0xba: {  	_ =	strace $0x90000048  }
0xbb: {  	_ =	sfence  }
0xbc: {  	s30 =	sld [smem:$0x0];
	_ =	sdelay $0x2  }
0xbd: {  	s31 =	sshll.u32 s1, $0xD;
	s1 =	sshrl.u32 s1, $0x2  }
0xbe: {  	s3 =	sand.u32 $0x4000, s31;
	s1 =	sadd.s32 s1, s30  }
0xbf: {  	s0 =	sor.u32 s3, s0;
	s1 =	sshll.u32 s1, $0x11  }
0xc0: {  	s0 =	sor.u32 s1, s0  }
0xc1: {  	s0 =	sadd.s32 $0x8F2B, s0  }
0xc2: {  	[sflag:s0] =	ssyncadd.remote.s32 $0x1  }
0xc3: {  	_ =	sfence.sel $0xFFFF  }
0xc4: {  	[dreg:$0x0] =	wrdreg $0xFFFFFFFF;
	(pc) =	sbr.abs _section_cstart, $3  }
0xc5: {  	[dreg:$0x1] =	wrdreg $0xFFFFFFFF  }
0xc6: {  	_ =	task.clear_ibuf [dreg:s10], $0x2FFFF;
	_ =	strace $0x9FFFFFFF  }
0xc7: {  	(tm) =	ssettm $0x7FFFFFFF  }
tec
execute0_lowered:
.L_overlay_start_1:
0x0: {  	(tag) =	ssettag $0x1  }
0x1: {  	s0 =	rddreg [dreg:$0x0]  }
0x2: {  	s4 =	rddreg [dreg:$0x1]  }
0x3: {  	s1 =	srdreg.scid;
	s2 =	stileid.u32  }
0x4: {  	s3 =	rddreg [dreg:$0x2];
	s5 =	sand.u32 $0x1, s1;
	s6 =	sshll.u32 s2, $0x1  }
0x5: {  	s2 =	rddreg [dreg:$0x3];
	s6 =	sor.u32 s5, s6  }
0x6: {  	s1 =	simm.s32 $0x0;
	s7 =	sshll.u32 s6, $0xA;
	s6 =	sshll.u32 s6, $0x7  }
0x7: {  	[smem:$0x7FF] =	sst s1;
	s19 =	sadd.s32 s3, s6  }
0x8: {  	s9 =	sor.u32 $0x8000, s7;
	s10 =	sadd.s32 s0, s6;
	[dreg:$0x5] =	wrdreg s19  }
0x9: {  	s22 =	sor.u32 $0x10000, s7;
	s6 =	sadd.s32 s2, s6;
	[dreg:$0x6] =	wrdreg s10  }
0xa: {  	s20 =	sshrl.u32 s9, $0x3;
	s9 =	sadd.s32 s4, s9;
	[dreg:$0xa] =	wrdreg s6  }
0xb: {  	s25 =	sor.u32 $0x18000, s7;
	s10 =	sadd.s32 s4, s22;
	[dreg:$0x9] =	wrdreg s9  }
0xc: {  	s28 =	simm.s32 $0x8800;
	s6 =	sadd.s32 s4, s25;
	[dreg:$0xd] =	wrdreg s10  }
0xd: {  	s5 =	ssub.s32 $0x2, s5;
	s21 =	sadd.s32 s3, s20;
	[dreg:$0x11] =	wrdreg s6  }
0xe: {  	s23 =	sshrl.u32 s22, $0x3;
	s11 =	sadd.s32 s0, s20;
	[dreg:$0x7] =	wrdreg s21  }
0xf: {  	s8 =	sshrl.u32 s5, $0x1;
	s24 =	sadd.s32 s3, s23;
	[dreg:$0x8] =	wrdreg s11  }
0x10: {  	s5 =	ssub.s32 s5, s8;
	s26 =	sadd.s32 s0, s23;
	[dreg:$0xb] =	wrdreg s24  }
0x11: {  	s12 =	sshrl.u32 s25, $0x3;
	s8 =	sadd.s32 s2, s20;
	[dreg:$0xc] =	wrdreg s26  }
0x12: {  	s29 =	simm.s32 $0x8400;
	s13 =	sadd.s32 s3, s12;
	[dreg:$0xe] =	wrdreg s8  }
0x13: {  	s30 =	simm.s32 $0x8000;
	s14 =	sadd.s32 s0, s12;
	[dreg:$0xf] =	wrdreg s13  }
0x14: {  	s16 =	sor.u32 $0x20000, s7;
	s15 =	sadd.s32 s2, s23;
	[dreg:$0x10] =	wrdreg s14  }
0x15: {  	s31 =	simm.s32 $0x2;
	s6 =	sadd.s32 s4, s16;
	[dreg:$0x12] =	wrdreg s15  }
0x16: {  	s17 =	sshrl.u32 s16, $0x3;
	s19 =	sadd.s32 s2, s12;
	[dreg:$0x13] =	wrdreg s6  }
0x17: {  	s18 =	sor.u32 $0x28000, s7;
	s22 =	sadd.s32 s0, s17;
	[dreg:$0x14] =	wrdreg s19  }
0x18: {  	s20 =	sshrl.u32 s18, $0x3;
	s6 =	sadd.s32 s4, s18;
	[dreg:$0x17] =	wrdreg s22  }
0x19: {  	s23 =	sor.u32 $0x30000, s7;
	s21 =	sadd.s32 s3, s17;
	[dreg:$0x15] =	wrdreg s6  }
0x1a: {  	s10 =	sor.u32 $0x38000, s7;
	s8 =	sadd.s32 s2, s17;
	[dreg:$0x16] =	wrdreg s21  }
0x1b: {  	s24 =	sshrl.u32 s23, $0x3;
	s25 =	sadd.s32 s3, s20;
	[dreg:$0x18] =	wrdreg s8  }
0x1c: {  	s26 =	sadd.s32 s0, s20;
	s9 =	sadd.s32 s2, s20;
	[dreg:$0x1a] =	wrdreg s25  }
0x1d: {  	s11 =	sshrl.u32 s10, $0x3;
	s14 =	sor.u32 $0x40000, s7;
	[dreg:$0x1b] =	wrdreg s26  }
0x1e: {  	s18 =	sor.u32 $0x48000, s7;
	s6 =	sadd.s32 s4, s23;
	[dreg:$0x1c] =	wrdreg s9  }
0x1f: {  	s12 =	sadd.s32 s3, s24;
	s13 =	sadd.s32 s0, s24;
	[dreg:$0x19] =	wrdreg s6  }
0x20: {  	s8 =	sadd.s32 s2, s24;
	s15 =	sshrl.u32 s14, $0x3;
	[dreg:$0x1e] =	wrdreg s12  }
0x21: {  	s16 =	sadd.s32 s3, s11;
	s17 =	sadd.s32 s0, s11;
	[dreg:$0x1f] =	wrdreg s13  }
0x22: {  	s9 =	sadd.s32 s2, s11;
	s19 =	sshrl.u32 s18, $0x3;
	[smem:$0x7F3] =	sst s8  }
0x23: {  	s23 =	sadd.s32 s4, s7;
	s24 =	sor.u32 $0x50000, s7;
	[smem:$0x7F5] =	sst s16  }
0x24: {  	s7 =	sor.u32 $0x58000, s7;
	s6 =	sadd.s32 s4, s10;
	[smem:$0x7F6] =	sst s17  }
0x25: {  	[smem:$0x7F7] =	sst s9;
	s20 =	sadd.s32 s3, s15;
	s21 =	sadd.s32 s0, s15  }
0x26: {  	s22 =	sadd.s32 s2, s15;
	[smem:$0x7FC] =	sst s23;
	s25 =	sshrl.u32 s24, $0x3  }
0x27: {  	s10 =	sadd.s32 s4, s7;
	s26 =	sshrl.u32 s7, $0x3;
	[dreg:$0x1d] =	wrdreg s6  }
0x28: {  	s11 =	sadd.s32 s3, s19;
	s12 =	sadd.s32 s0, s19;
	[smem:$0x7F9] =	sst s20  }
0x29: {  	s13 =	sadd.s32 s2, s19;
	s23 =	simm.s32 $0x11000;
	[smem:$0x7FA] =	sst s21  }
0x2a: {  	s6 =	sadd.s32 s4, s14;
	[smem:$0x7FB] =	sst s22;
	s14 =	sadd.s32 s3, s25  }
0x2b: {  	s15 =	sadd.s32 s3, s26;
	s16 =	sadd.s32 s0, s25;
	s17 =	sadd.s32 s0, s26  }
0x2c: {  	s19 =	sadd.s32 s2, s26;
	s20 =	smax.u32 s5, $0x1;
	s21 =	simm.s32 $0x2000  }
0x2d: {  	s22 =	simm.s32 $0x7A1400;
	s26 =	simm.s32 $0x1;
	s0 =	simm.s32 $0x11400  }
0x2e: {  	s3 =	simm.s32 $0x4;
	[smem:$0x7F4] =	sst s6;
	s6 =	sadd.s32 s4, s18  }
0x2f: {  	s18 =	sadd.s32 s2, s25;
	[smem:$0x7F8] =	sst s6;
	s6 =	sadd.s32 s4, s24  }
0x30: {  	s25 =	simm.s32 $0x8C00;
	s2 =	simm.s32 $0x3;
	[smem:$0x7FD] =	sst s6  }
0x31: {  	v0 =	vlaneseq.u32;
	s24 =	simm.s32 $0x10C00;
	s4 =	simm.s32 $0x0;
	_ =	strace $0x80000047  }
.LBB2_1:
0x32: {  	s5 =	rddreg [dreg:$0x5]  }
0x33: {  	s9 =	rddreg [dreg:$0x6]  }
0x34: {  	[tilespmem:s29], [sflag:$0x1] =	stream.linear.gather [hbm4b:s5+s1], $0x400, $0x38;
	[tilespmem:$0x11800] =	vst v63  }
0x35: {  	s6 =	sld [smem:$0x7FC]  }
0x36: {  	[tilespmem:s30], [sflag:$0x1] =	stream.linear.gather [hbm4b:s9+s1], $0x400, $0x38;
	[tilespmem:$0x11800] =	vst v63  }
0x37: {  	_ = 	snop  }
0x38: {  	[tilespmem:s1], [sflag:$0x1] =	stream.strided.gather [hbm4b:s6+s21], $0x8000, s22, s21, $0x38;
	[tilespmem:$0x11800] =	vst v63  }
0x39: {  	s7 =	rddreg [dreg:$0x7]  }
0x3a: {  	[tilespmem:s23], [sflag:$0x2] =	stream.linear.gather [hbm4b:s7+s1], $0x400, $0x38;
	[tilespmem:$0x11800] =	vst v63  }
0x3b: {  	s8 =	rddreg [dreg:$0x8]  }
0x3c: {  	[tilespmem:s24], [sflag:$0x2] =	stream.linear.gather [hbm4b:s8+s1], $0x400, $0x38;
	[tilespmem:$0x11800] =	vst v63  }
0x3d: {  	s9 =	rddreg [dreg:$0x9]  }
0x3e: {  	[tilespmem:s25], [sflag:$0x2] =	stream.strided.gather [hbm4b:s9+s21], $0x8000, s22, s21, $0x38;
	[tilespmem:$0x11800] =	vst v63  }
0x3f: {  	_ =	swait.ge [sflag:s26], $0x400  }
0x40: {  	[sflag:s26] =	ssyncset.done $0x0  }
0x41: {  	[sflag:s26] =	ssyncadd.s32 $0xFFFFFC00  }
0x42: {  	_ =	swait.ge [sflag:s26], $0x400  }
0x43: {  	[sflag:s26] =	ssyncset.done $0x0  }
0x44: {  	[sflag:s26] =	ssyncadd.s32 $0xFFFFFC00  }
0x45: {  	_ =	swait.ge [sflag:s26], $0x8000  }
0x46: {  	[sflag:s26] =	ssyncset.done $0x0  }
0x47: {  	[sflag:s26] =	ssyncadd.s32 $0xFFFF8000  }
0x48: {  	v1 =	vld [tilespmem:s29+$0x0];
	_ =	sdelay $0x4  }
0x49: {  	v2 =	vadd.s32 $0xFFFFFFFF, v1  }
0x4a: {  	v3 =	vmov s1;
	vm0 =	vgt.s32 v2, $0x0  }
0x4b: {  	v4 =	vor.u32 s1, v0;
	v3 =	vshll.u32 v3, $0x3;
	v2 =	vnsel vm0, $0x0, v2  }
0x4c: {  	v4 =	vand.u32 $0x7F, v4;
	v3 =	vand.u32 $0x1C00, v3;
	v5 =	vshll.u32 v2, $0xA  }
0x4d: {  	v3 =	vor.u32 v3, v4;
	v2 =	vshll.u32 v2, $0x7;
	v5 =	vand.u32 $0xFFFFE000, v5  }
0x4e: {  	v2 =	vand.u32 $0x380, v2;
	v3 =	vor.u32 v5, v3  }
0x4f: {  	v2 =	vor.u32 v2, v3;
	_ =	sdelay $0x3  }
0x50: {  	v3 =	vld [tilespmem:s30+$0x0]  }
0x51: {  	v2 =	vld.idx.msk [tilespmem:v2+s1+$0x0], $0xffff;
	_ =	sdelay $0x3  }
0x52: {  	vm15 =	veq.s32 v1, $0x0  }
0x53: {  	v1 =	vsel vm15, v3, v2  }
0x54: {  	s5 =	simm.s32 $0x8800;
	s8 =	simm.s32 $0x8410;
	[tilespmem:s28+$0x0] =	vst v1  }
0x55: {  	s6 =	simm.s32 $0x8000;
	s7 =	simm.s32 $0x10;
	s9 =	simm.s32 $0x20;
	v1 =	vld [tilespmem:s8+$0x0]  }
.LBB2_2:
0x56: {  	p0 =	sne.s32 s9, $0x3F0;
	_ =	sdelay $0x3  }
0x57: {  	v2 =	vadd.s32 $0xFFFFFFFF, v1  }
0x58: {  	v3 =	vmov s7;
	vm0 =	vgt.s32 v2, $0x0  }
0x59: {  	v4 =	vor.u32 s7, v0;
	s7 =	smov.u32 s9;
	v3 =	vshll.u32 v3, $0x3;
	v2 =	vnsel vm0, $0x0, v2  }
0x5a: {  	v4 =	vand.u32 $0x7F, v4;
	v3 =	vand.u32 $0x1C00, v3;
	v5 =	vshll.u32 v2, $0xA  }
0x5b: {  	v3 =	vor.u32 v3, v4;
	v2 =	vshll.u32 v2, $0x7;
	v5 =	vand.u32 $0xFFFFE000, v5  }
0x5c: {  	v2 =	vand.u32 $0x380, v2;
	v3 =	vor.u32 v5, v3  }
0x5d: {  	v2 =	vor.u32 v2, v3;
	_ =	sdelay $0x4  }
0x5e: {  	s6 =	sadd.s32 $0x10, s6;
	v2 =	vld.idx.msk [tilespmem:v2+s1+$0x0], $0xffff  }
0x5f: {  	v3 =	vld [tilespmem:s6+$0x0];
	_ =	sdelay $0x2  }
.Ltmp0:
0x60: {  	(pc) =	sbr.rel @p0 .LBB2_2-.Ltmp0, $4  }
0x61: {  	vm0 =	veq.s32 v1, $0x0  }
0x62: {  	s5 =	sadd.s32 $0x10, s5;
	v1 =	vsel vm0, v3, v2  }
0x63: {  	s8 =	sadd.s32 $0x10, s8;
	[tilespmem:s5+$0x0] =	vst v1  }
0x64: {  	s9 =	sadd.s32 $0x10, s9;
	v1 =	vld [tilespmem:s8+$0x0]  }
0x65: {  	_ =	sdelay $0x3  }
0x66: {  	v2 =	vadd.s32 $0xFFFFFFFF, v1  }
0x67: {  	v3 =	vmov s7;
	vm0 =	vgt.s32 v2, $0x0  }
0x68: {  	v4 =	vor.u32 s7, v0;
	v3 =	vshll.u32 v3, $0x3;
	v2 =	vnsel vm0, $0x0, v2  }
0x69: {  	v4 =	vand.u32 $0x7F, v4;
	v3 =	vand.u32 $0x1C00, v3;
	v5 =	vshll.u32 v2, $0xA  }
0x6a: {  	v3 =	vor.u32 v3, v4;
	v2 =	vshll.u32 v2, $0x7;
	v5 =	vand.u32 $0xFFFFE000, v5  }
0x6b: {  	v2 =	vand.u32 $0x380, v2;
	v3 =	vor.u32 v5, v3  }
0x6c: {  	v2 =	vor.u32 v2, v3;
	_ =	sdelay $0x2  }
0x6d: {  	s6 =	sadd.s32 $0x10, s6  }
0x6e: {  	v3 =	vld [tilespmem:s6+$0x0]  }
0x6f: {  	v2 =	vld.idx.msk [tilespmem:v2+s1+$0x0], $0xffff;
	_ =	sdelay $0x3  }
0x70: {  	vm13 =	veq.s32 v1, $0x0  }
0x71: {  	s5 =	sadd.s32 $0x10, s5;
	v1 =	vsel vm13, v3, v2  }
0x72: {  	s8 =	rddreg [dreg:$0xa];
	[tilespmem:s5+$0x0] =	vst v1;
	s5 =	simm.s32 $0x0  }
0x73: {  	[hbm4b:s8+s5] =	stream.linear.scatter [tilespmem:s28], [sflag:$0x3], $0x400, $0x38;
	[tilespmem:$0x11800] =	vst v63  }
0x74: {  	s9 =	rddreg [dreg:$0xb]  }
0x75: {  	[tilespmem:s29], [sflag:$0x1] =	stream.linear.gather [hbm4b:s9+s5], $0x400, $0x38;
	[tilespmem:$0x11800] =	vst v63  }
0x76: {  	s7 =	rddreg [dreg:$0xc]  }
0x77: {  	[tilespmem:s30], [sflag:$0x1] =	stream.linear.gather [hbm4b:s7+s5], $0x400, $0x38;
	[tilespmem:$0x11800] =	vst v63  }
0x78: {  	s8 =	rddreg [dreg:$0xd]  }
0x79: {  	[tilespmem:s5], [sflag:$0x1] =	stream.strided.gather [hbm4b:s8+s21], $0x8000, s22, s21, $0x38;
	[tilespmem:$0x11800] =	vst v63  }
0x7a: {  	_ =	swait.ge [sflag:s31], $0x400  }
0x7b: {  	[sflag:s31] =	ssyncset.done $0x0  }
0x7c: {  	[sflag:s31] =	ssyncadd.s32 $0xFFFFFC00  }
0x7d: {  	_ =	swait.ge [sflag:s31], $0x400  }
0x7e: {  	[sflag:s31] =	ssyncset.done $0x0  }
0x7f: {  	[sflag:s31] =	ssyncadd.s32 $0xFFFFFC00  }
0x80: {  	_ =	swait.ge [sflag:s31], $0x8000  }
0x81: {  	[sflag:s31] =	ssyncset.done $0x0  }
0x82: {  	s9 =	simm.s32 $0x11000;
	[sflag:s31] =	ssyncadd.s32 $0xFFFF8000  }
0x83: {  	v1 =	vld [tilespmem:s9+$0x0];
	_ =	sdelay $0x4  }
0x84: {  	v2 =	vadd.s32 $0xFFFFFFFF, v1  }
0x85: {  	v3 =	vmov s5;
	vm14 =	vgt.s32 v2, $0x0  }
0x86: {  	v62 =	vor.u32 s5, v0;
	v3 =	vshll.u32 v3, $0x3;
	v2 =	vnsel vm14, $0x0, v2  }
0x87: {  	v4 =	vand.u32 $0x7F, v62;
	v3 =	vand.u32 $0x1C00, v3;
	v63 =	vshll.u32 v2, $0xA  }
0x88: {  	v3 =	vor.u32 v3, v4;
	v2 =	vshll.u32 v2, $0x7;
	v5 =	vand.u32 $0xFFFFE000, v63  }
0x89: {  	v2 =	vand.u32 $0x380, v2;
	v3 =	vor.u32 v5, v3  }
0x8a: {  	v2 =	vor.u32 v2, v3;
	_ =	sdelay $0x2  }
0x8b: {  	s5 =	simm.s32 $0x10C00  }
0x8c: {  	v3 =	vld [tilespmem:s5+$0x0]  }
0x8d: {  	v2 =	vld.idx.msk [tilespmem:v2+s25+$0x0], $0xffff;
	_ =	sdelay $0x3  }
0x8e: {  	vm15 =	veq.s32 v1, $0x0  }
0x8f: {  	s6 =	simm.s32 $0x11400;
	v1 =	vsel vm15, v3, v2  }
0x90: {  	s8 =	simm.s32 $0x11010;
	[tilespmem:s6+$0x0] =	vst v1  }
0x91: {  	s7 =	simm.s32 $0x10;
	s9 =	simm.s32 $0x20;
	v1 =	vld [tilespmem:s8+$0x0]  }
.LBB2_4:
0x92: {  	p0 =	sne.s32 s9, $0x3F0;
	_ =	sdelay $0x3  }
0x93: {  	v2 =	vadd.s32 $0xFFFFFFFF, v1  }
0x94: {  	v3 =	vmov s7;
	vm0 =	vgt.s32 v2, $0x0  }
0x95: {  	v4 =	vor.u32 s7, v0;
	s7 =	smov.u32 s9;
	v3 =	vshll.u32 v3, $0x3;
	v2 =	vnsel vm0, $0x0, v2  }
0x96: {  	v4 =	vand.u32 $0x7F, v4;
	v3 =	vand.u32 $0x1C00, v3;
	v5 =	vshll.u32 v2, $0xA  }
0x97: {  	v3 =	vor.u32 v3, v4;
	v2 =	vshll.u32 v2, $0x7;
	v5 =	vand.u32 $0xFFFFE000, v5  }
0x98: {  	v2 =	vand.u32 $0x380, v2;
	v3 =	vor.u32 v5, v3  }
0x99: {  	v2 =	vor.u32 v2, v3;
	_ =	sdelay $0x4  }
0x9a: {  	s5 =	sadd.s32 $0x10, s5;
	v2 =	vld.idx.msk [tilespmem:v2+s25+$0x0], $0xffff  }
0x9b: {  	v3 =	vld [tilespmem:s5+$0x0];
	_ =	sdelay $0x2  }
.Ltmp1:
0x9c: {  	(pc) =	sbr.rel @p0 .LBB2_4-.Ltmp1, $4  }
0x9d: {  	vm0 =	veq.s32 v1, $0x0  }
0x9e: {  	s6 =	sadd.s32 $0x10, s6;
	v1 =	vsel vm0, v3, v2  }
0x9f: {  	s8 =	sadd.s32 $0x10, s8;
	[tilespmem:s6+$0x0] =	vst v1  }
0xa0: {  	s9 =	sadd.s32 $0x10, s9;
	v1 =	vld [tilespmem:s8+$0x0]  }
0xa1: {  	_ =	sdelay $0x3  }
0xa2: {  	v2 =	vadd.s32 $0xFFFFFFFF, v1  }
0xa3: {  	v3 =	vmov s7;
	vm0 =	vgt.s32 v2, $0x0  }
0xa4: {  	v4 =	vor.u32 s7, v0;
	v3 =	vshll.u32 v3, $0x3;
	v2 =	vnsel vm0, $0x0, v2  }
0xa5: {  	v4 =	vand.u32 $0x7F, v4;
	v3 =	vand.u32 $0x1C00, v3;
	v5 =	vshll.u32 v2, $0xA  }
0xa6: {  	v3 =	vor.u32 v3, v4;
	v2 =	vshll.u32 v2, $0x7;
	v5 =	vand.u32 $0xFFFFE000, v5  }
0xa7: {  	v2 =	vand.u32 $0x380, v2;
	v3 =	vor.u32 v5, v3  }
0xa8: {  	v2 =	vor.u32 v2, v3;
	_ =	sdelay $0x2  }
0xa9: {  	s5 =	sadd.s32 $0x10, s5  }
0xaa: {  	v3 =	vld [tilespmem:s5+$0x0]  }
0xab: {  	v2 =	vld.idx.msk [tilespmem:v2+s25+$0x0], $0xffff;
	_ =	sdelay $0x3  }
0xac: {  	vm13 =	veq.s32 v1, $0x0  }
0xad: {  	s7 =	sadd.s32 $0x10, s6;
	v1 =	vsel vm13, v3, v2  }
0xae: {  	s8 =	rddreg [dreg:$0xe];
	s5 =	simm.s32 $0x0;
	[tilespmem:s7+$0x0] =	vst v1  }
0xaf: {  	[hbm4b:s8+s5] =	stream.linear.scatter [tilespmem:s0], [sflag:$0x4], $0x400, $0x38;
	[tilespmem:$0x11800] =	vst v63  }
0xb0: {  	s9 =	rddreg [dreg:$0xf]  }
0xb1: {  	[tilespmem:s23], [sflag:$0x2] =	stream.linear.gather [hbm4b:s9+s5], $0x400, $0x38;
	[tilespmem:$0x11800] =	vst v63  }
0xb2: {  	s7 =	rddreg [dreg:$0x10]  }
0xb3: {  	[tilespmem:s24], [sflag:$0x2] =	stream.linear.gather [hbm4b:s7+s5], $0x400, $0x38;
	[tilespmem:$0x11800] =	vst v63  }
0xb4: {  	s8 =	rddreg [dreg:$0x11]  }
0xb5: {  	[tilespmem:s25], [sflag:$0x2] =	stream.strided.gather [hbm4b:s8+s21], $0x8000, s22, s21, $0x38;
	[tilespmem:$0x11800] =	vst v63  }
0xb6: {  	_ =	swait.ge [sflag:s26], $0x400  }
0xb7: {  	[sflag:s26] =	ssyncset.done $0x0  }
0xb8: {  	[sflag:s26] =	ssyncadd.s32 $0xFFFFFC00  }
0xb9: {  	_ =	swait.ge [sflag:s26], $0x400  }
0xba: {  	[sflag:s26] =	ssyncset.done $0x0  }
0xbb: {  	[sflag:s26] =	ssyncadd.s32 $0xFFFFFC00  }
0xbc: {  	_ =	swait.ge [sflag:s26], $0x8000  }
0xbd: {  	[sflag:s26] =	ssyncset.done $0x0  }
0xbe: {  	[sflag:s26] =	ssyncadd.s32 $0xFFFF8000  }
0xbf: {  	_ =	swait.ge [sflag:s2], $0x400  }
0xc0: {  	[sflag:s2] =	ssyncset.done $0x0  }
0xc1: {  	s9 =	simm.s32 $0x8400;
	[sflag:s2] =	ssyncadd.s32 $0xFFFFFC00  }
0xc2: {  	v1 =	vld [tilespmem:s9+$0x0];
	_ =	sdelay $0x4  }
0xc3: {  	v2 =	vadd.s32 $0xFFFFFFFF, v1  }
0xc4: {  	v3 =	vmov s5;
	vm14 =	vgt.s32 v2, $0x0  }
0xc5: {  	v62 =	vor.u32 s5, v0;
	v3 =	vshll.u32 v3, $0x3;
	v2 =	vnsel vm14, $0x0, v2  }
0xc6: {  	v4 =	vand.u32 $0x7F, v62;
	v3 =	vand.u32 $0x1C00, v3;
	v63 =	vshll.u32 v2, $0xA  }
0xc7: {  	v3 =	vor.u32 v3, v4;
	v2 =	vshll.u32 v2, $0x7;
	v5 =	vand.u32 $0xFFFFE000, v63  }
0xc8: {  	v2 =	vand.u32 $0x380, v2;
	v3 =	vor.u32 v5, v3  }
0xc9: {  	v2 =	vor.u32 v2, v3;
	_ =	sdelay $0x2  }
0xca: {  	s5 =	simm.s32 $0x8000  }
0xcb: {  	v3 =	vld [tilespmem:s5+$0x0]  }
0xcc: {  	v2 =	vld.idx.msk [tilespmem:v2+s1+$0x0], $0xffff;
	_ =	sdelay $0x3  }
0xcd: {  	vm15 =	veq.s32 v1, $0x0  }
0xce: {  	s6 =	simm.s32 $0x8800;
	v1 =	vsel vm15, v3, v2  }
0xcf: {  	s8 =	simm.s32 $0x8410;
	[tilespmem:s6+$0x0] =	vst v1  }
0xd0: {  	s7 =	simm.s32 $0x10;
	s9 =	simm.s32 $0x20;
	v1 =	vld [tilespmem:s8+$0x0]  }
.LBB2_6:
0xd1: {  	p0 =	sne.s32 s9, $0x3F0;
	_ =	sdelay $0x3  }
0xd2: {  	v2 =	vadd.s32 $0xFFFFFFFF, v1  }
0xd3: {  	v3 =	vmov s7;
	vm0 =	vgt.s32 v2, $0x0  }
0xd4: {  	v4 =	vor.u32 s7, v0;
	s7 =	smov.u32 s9;
	v3 =	vshll.u32 v3, $0x3;
	v2 =	vnsel vm0, $0x0, v2  }
0xd5: {  	v4 =	vand.u32 $0x7F, v4;
	v3 =	vand.u32 $0x1C00, v3;
	v5 =	vshll.u32 v2, $0xA  }
0xd6: {  	v3 =	vor.u32 v3, v4;
	v2 =	vshll.u32 v2, $0x7;
	v5 =	vand.u32 $0xFFFFE000, v5  }
0xd7: {  	v2 =	vand.u32 $0x380, v2;
	v3 =	vor.u32 v5, v3  }
0xd8: {  	v2 =	vor.u32 v2, v3;
	_ =	sdelay $0x4  }
0xd9: {  	s5 =	sadd.s32 $0x10, s5;
	v2 =	vld.idx.msk [tilespmem:v2+s1+$0x0], $0xffff  }
0xda: {  	v3 =	vld [tilespmem:s5+$0x0];
	_ =	sdelay $0x2  }
.Ltmp2:
0xdb: {  	(pc) =	sbr.rel @p0 .LBB2_6-.Ltmp2, $4  }
0xdc: {  	vm0 =	veq.s32 v1, $0x0  }
0xdd: {  	s6 =	sadd.s32 $0x10, s6;
	v1 =	vsel vm0, v3, v2  }
0xde: {  	s8 =	sadd.s32 $0x10, s8;
	[tilespmem:s6+$0x0] =	vst v1  }
0xdf: {  	s9 =	sadd.s32 $0x10, s9;
	v1 =	vld [tilespmem:s8+$0x0]  }
0xe0: {  	_ =	sdelay $0x3  }
0xe1: {  	v2 =	vadd.s32 $0xFFFFFFFF, v1  }
0xe2: {  	v3 =	vmov s7;
	vm0 =	vgt.s32 v2, $0x0  }
0xe3: {  	v4 =	vor.u32 s7, v0;
	v3 =	vshll.u32 v3, $0x3;
	v2 =	vnsel vm0, $0x0, v2  }
0xe4: {  	v4 =	vand.u32 $0x7F, v4;
	v3 =	vand.u32 $0x1C00, v3;
	v5 =	vshll.u32 v2, $0xA  }
0xe5: {  	v3 =	vor.u32 v3, v4;
	v2 =	vshll.u32 v2, $0x7;
	v5 =	vand.u32 $0xFFFFE000, v5  }
0xe6: {  	v2 =	vand.u32 $0x380, v2;
	v3 =	vor.u32 v5, v3  }
0xe7: {  	v2 =	vor.u32 v2, v3;
	_ =	sdelay $0x2  }
0xe8: {  	s5 =	sadd.s32 $0x10, s5  }
0xe9: {  	v3 =	vld [tilespmem:s5+$0x0]  }
0xea: {  	v2 =	vld.idx.msk [tilespmem:v2+s1+$0x0], $0xffff;
	_ =	sdelay $0x3  }
0xeb: {  	vm13 =	veq.s32 v1, $0x0  }
0xec: {  	s7 =	sadd.s32 $0x10, s6;
	v1 =	vsel vm13, v3, v2  }
0xed: {  	s8 =	rddreg [dreg:$0x12];
	s5 =	simm.s32 $0x0;
	[tilespmem:s7+$0x0] =	vst v1  }
0xee: {  	[hbm4b:s8+s5] =	stream.linear.scatter [tilespmem:s28], [sflag:$0x3], $0x400, $0x38;
	[tilespmem:$0x11800] =	vst v63  }
0xef: {  	s9 =	rddreg [dreg:$0x16]  }
0xf0: {  	[tilespmem:s29], [sflag:$0x1] =	stream.linear.gather [hbm4b:s9+s5], $0x400, $0x38;
	[tilespmem:$0x11800] =	vst v63  }
0xf1: {  	s7 =	rddreg [dreg:$0x17]  }
0xf2: {  	[tilespmem:s30], [sflag:$0x1] =	stream.linear.gather [hbm4b:s7+s5], $0x400, $0x38;
	[tilespmem:$0x11800] =	vst v63  }
0xf3: {  	s8 =	rddreg [dreg:$0x13]  }
0xf4: {  	[tilespmem:s5], [sflag:$0x1] =	stream.strided.gather [hbm4b:s8+s21], $0x8000, s22, s21, $0x38;
	[tilespmem:$0x11800] =	vst v63  }
0xf5: {  	_ =	swait.ge [sflag:s31], $0x400  }
0xf6: {  	[sflag:s31] =	ssyncset.done $0x0  }
0xf7: {  	[sflag:s31] =	ssyncadd.s32 $0xFFFFFC00  }
0xf8: {  	_ =	swait.ge [sflag:s31], $0x400  }
0xf9: {  	[sflag:s31] =	ssyncset.done $0x0  }
0xfa: {  	[sflag:s31] =	ssyncadd.s32 $0xFFFFFC00  }
0xfb: {  	_ =	swait.ge [sflag:s31], $0x8000  }
0xfc: {  	[sflag:s31] =	ssyncset.done $0x0  }
0xfd: {  	[sflag:s31] =	ssyncadd.s32 $0xFFFF8000  }
0xfe: {  	_ =	swait.ge [sflag:s3], $0x400  }
0xff: {  	[sflag:s3] =	ssyncset.done $0x0  }
0x100: {  	s9 =	simm.s32 $0x11000;
	[sflag:s3] =	ssyncadd.s32 $0xFFFFFC00  }
0x101: {  	v1 =	vld [tilespmem:s9+$0x0];
	_ =	sdelay $0x4  }
0x102: {  	v2 =	vadd.s32 $0xFFFFFFFF, v1  }
0x103: {  	v3 =	vmov s5;
	vm14 =	vgt.s32 v2, $0x0  }
0x104: {  	v62 =	vor.u32 s5, v0;
	v3 =	vshll.u32 v3, $0x3;
	v2 =	vnsel vm14, $0x0, v2  }
0x105: {  	v4 =	vand.u32 $0x7F, v62;
	v3 =	vand.u32 $0x1C00, v3;
	v63 =	vshll.u32 v2, $0xA  }
0x106: {  	v3 =	vor.u32 v3, v4;
	v2 =	vshll.u32 v2, $0x7;
	v5 =	vand.u32 $0xFFFFE000, v63  }
0x107: {  	v2 =	vand.u32 $0x380, v2;
	v3 =	vor.u32 v5, v3  }
0x108: {  	v2 =	vor.u32 v2, v3;
	_ =	sdelay $0x2  }
0x109: {  	s5 =	simm.s32 $0x10C00  }
0x10a: {  	v3 =	vld [tilespmem:s5+$0x0]  }
0x10b: {  	v2 =	vld.idx.msk [tilespmem:v2+s25+$0x0], $0xffff;
	_ =	sdelay $0x3  }
0x10c: {  	vm15 =	veq.s32 v1, $0x0  }
0x10d: {  	s6 =	simm.s32 $0x11400;
	v1 =	vsel vm15, v3, v2  }
0x10e: {  	s8 =	simm.s32 $0x11010;
	[tilespmem:s6+$0x0] =	vst v1  }
0x10f: {  	s7 =	simm.s32 $0x10;
	s9 =	simm.s32 $0x20;
	v1 =	vld [tilespmem:s8+$0x0]  }
.LBB2_8:
0x110: {  	p0 =	sne.s32 s9, $0x3F0;
	_ =	sdelay $0x3  }
0x111: {  	v2 =	vadd.s32 $0xFFFFFFFF, v1  }
0x112: {  	v3 =	vmov s7;
	vm0 =	vgt.s32 v2, $0x0  }
0x113: {  	v4 =	vor.u32 s7, v0;
	s7 =	smov.u32 s9;
	v3 =	vshll.u32 v3, $0x3;
	v2 =	vnsel vm0, $0x0, v2  }
0x114: {  	v4 =	vand.u32 $0x7F, v4;
	v3 =	vand.u32 $0x1C00, v3;
	v5 =	vshll.u32 v2, $0xA  }
0x115: {  	v3 =	vor.u32 v3, v4;
	v2 =	vshll.u32 v2, $0x7;
	v5 =	vand.u32 $0xFFFFE000, v5  }
0x116: {  	v2 =	vand.u32 $0x380, v2;
	v3 =	vor.u32 v5, v3  }
0x117: {  	v2 =	vor.u32 v2, v3;
	_ =	sdelay $0x4  }
0x118: {  	s5 =	sadd.s32 $0x10, s5;
	v2 =	vld.idx.msk [tilespmem:v2+s25+$0x0], $0xffff  }
0x119: {  	v3 =	vld [tilespmem:s5+$0x0];
	_ =	sdelay $0x2  }
.Ltmp3:
0x11a: {  	(pc) =	sbr.rel @p0 .LBB2_8-.Ltmp3, $4  }
0x11b: {  	vm0 =	veq.s32 v1, $0x0  }
0x11c: {  	s6 =	sadd.s32 $0x10, s6;
	v1 =	vsel vm0, v3, v2  }
0x11d: {  	s8 =	sadd.s32 $0x10, s8;
	[tilespmem:s6+$0x0] =	vst v1  }
0x11e: {  	s9 =	sadd.s32 $0x10, s9;
	v1 =	vld [tilespmem:s8+$0x0]  }
0x11f: {  	_ =	sdelay $0x3  }
0x120: {  	v2 =	vadd.s32 $0xFFFFFFFF, v1  }
0x121: {  	v3 =	vmov s7;
	vm0 =	vgt.s32 v2, $0x0  }
0x122: {  	v4 =	vor.u32 s7, v0;
	v3 =	vshll.u32 v3, $0x3;
	v2 =	vnsel vm0, $0x0, v2  }
0x123: {  	v4 =	vand.u32 $0x7F, v4;
	v3 =	vand.u32 $0x1C00, v3;
	v5 =	vshll.u32 v2, $0xA  }
0x124: {  	v3 =	vor.u32 v3, v4;
	v2 =	vshll.u32 v2, $0x7;
	v5 =	vand.u32 $0xFFFFE000, v5  }
0x125: {  	v2 =	vand.u32 $0x380, v2;
	v3 =	vor.u32 v5, v3  }
0x126: {  	v2 =	vor.u32 v2, v3;
	_ =	sdelay $0x2  }
0x127: {  	s5 =	sadd.s32 $0x10, s5  }
0x128: {  	v3 =	vld [tilespmem:s5+$0x0]  }
0x129: {  	v2 =	vld.idx.msk [tilespmem:v2+s25+$0x0], $0xffff;
	_ =	sdelay $0x3  }
0x12a: {  	vm13 =	veq.s32 v1, $0x0  }
0x12b: {  	s7 =	sadd.s32 $0x10, s6;
	v1 =	vsel vm13, v3, v2  }
0x12c: {  	s8 =	rddreg [dreg:$0x14];
	s5 =	simm.s32 $0x0;
	[tilespmem:s7+$0x0] =	vst v1  }
0x12d: {  	[hbm4b:s8+s5] =	stream.linear.scatter [tilespmem:s0], [sflag:$0x4], $0x400, $0x38;
	[tilespmem:$0x11800] =	vst v63  }
0x12e: {  	s9 =	rddreg [dreg:$0x1a]  }
0x12f: {  	[tilespmem:s23], [sflag:$0x2] =	stream.linear.gather [hbm4b:s9+s5], $0x400, $0x38;
	[tilespmem:$0x11800] =	vst v63  }
0x130: {  	s7 =	rddreg [dreg:$0x1b]  }
0x131: {  	[tilespmem:s24], [sflag:$0x2] =	stream.linear.gather [hbm4b:s7+s5], $0x400, $0x38;
	[tilespmem:$0x11800] =	vst v63  }
0x132: {  	s8 =	rddreg [dreg:$0x15]  }
0x133: {  	[tilespmem:s25], [sflag:$0x2] =	stream.strided.gather [hbm4b:s8+s21], $0x8000, s22, s21, $0x38;
	[tilespmem:$0x11800] =	vst v63  }
0x134: {  	_ =	swait.ge [sflag:s26], $0x400  }
0x135: {  	[sflag:s26] =	ssyncset.done $0x0  }
0x136: {  	[sflag:s26] =	ssyncadd.s32 $0xFFFFFC00  }
0x137: {  	_ =	swait.ge [sflag:s26], $0x400  }
0x138: {  	[sflag:s26] =	ssyncset.done $0x0  }
0x139: {  	[sflag:s26] =	ssyncadd.s32 $0xFFFFFC00  }
0x13a: {  	_ =	swait.ge [sflag:s26], $0x8000  }
0x13b: {  	[sflag:s26] =	ssyncset.done $0x0  }
0x13c: {  	[sflag:s26] =	ssyncadd.s32 $0xFFFF8000  }
0x13d: {  	_ =	swait.ge [sflag:s2], $0x400  }
0x13e: {  	[sflag:s2] =	ssyncset.done $0x0  }
0x13f: {  	s9 =	simm.s32 $0x8400;
	[sflag:s2] =	ssyncadd.s32 $0xFFFFFC00  }
0x140: {  	v1 =	vld [tilespmem:s9+$0x0];
	_ =	sdelay $0x4  }
0x141: {  	v2 =	vadd.s32 $0xFFFFFFFF, v1  }
0x142: {  	v3 =	vmov s5;
	vm14 =	vgt.s32 v2, $0x0  }
0x143: {  	v62 =	vor.u32 s5, v0;
	v3 =	vshll.u32 v3, $0x3;
	v2 =	vnsel vm14, $0x0, v2  }
0x144: {  	v4 =	vand.u32 $0x7F, v62;
	v3 =	vand.u32 $0x1C00, v3;
	v63 =	vshll.u32 v2, $0xA  }
0x145: {  	v3 =	vor.u32 v3, v4;
	v2 =	vshll.u32 v2, $0x7;
	v5 =	vand.u32 $0xFFFFE000, v63  }
0x146: {  	v2 =	vand.u32 $0x380, v2;
	v3 =	vor.u32 v5, v3  }
0x147: {  	v2 =	vor.u32 v2, v3;
	_ =	sdelay $0x2  }
0x148: {  	s5 =	simm.s32 $0x8000  }
0x149: {  	v3 =	vld [tilespmem:s5+$0x0]  }
0x14a: {  	v2 =	vld.idx.msk [tilespmem:v2+s1+$0x0], $0xffff;
	_ =	sdelay $0x3  }
0x14b: {  	vm15 =	veq.s32 v1, $0x0  }
0x14c: {  	s6 =	simm.s32 $0x8800;
	v1 =	vsel vm15, v3, v2  }
0x14d: {  	s8 =	simm.s32 $0x8410;
	[tilespmem:s6+$0x0] =	vst v1  }
0x14e: {  	s7 =	simm.s32 $0x10;
	s9 =	simm.s32 $0x20;
	v1 =	vld [tilespmem:s8+$0x0]  }
.LBB2_10:
0x14f: {  	p0 =	sne.s32 s9, $0x3F0;
	_ =	sdelay $0x3  }
0x150: {  	v2 =	vadd.s32 $0xFFFFFFFF, v1  }
0x151: {  	v3 =	vmov s7;
	vm0 =	vgt.s32 v2, $0x0  }
0x152: {  	v4 =	vor.u32 s7, v0;
	s7 =	smov.u32 s9;
	v3 =	vshll.u32 v3, $0x3;
	v2 =	vnsel vm0, $0x0, v2  }
0x153: {  	v4 =	vand.u32 $0x7F, v4;
	v3 =	vand.u32 $0x1C00, v3;
	v5 =	vshll.u32 v2, $0xA  }
0x154: {  	v3 =	vor.u32 v3, v4;
	v2 =	vshll.u32 v2, $0x7;
	v5 =	vand.u32 $0xFFFFE000, v5  }
0x155: {  	v2 =	vand.u32 $0x380, v2;
	v3 =	vor.u32 v5, v3  }
0x156: {  	v2 =	vor.u32 v2, v3;
	_ =	sdelay $0x4  }
0x157: {  	s5 =	sadd.s32 $0x10, s5;
	v2 =	vld.idx.msk [tilespmem:v2+s1+$0x0], $0xffff  }
0x158: {  	v3 =	vld [tilespmem:s5+$0x0];
	_ =	sdelay $0x2  }
.Ltmp4:
0x159: {  	(pc) =	sbr.rel @p0 .LBB2_10-.Ltmp4, $4  }
0x15a: {  	vm0 =	veq.s32 v1, $0x0  }
0x15b: {  	s6 =	sadd.s32 $0x10, s6;
	v1 =	vsel vm0, v3, v2  }
0x15c: {  	s8 =	sadd.s32 $0x10, s8;
	[tilespmem:s6+$0x0] =	vst v1  }
0x15d: {  	s9 =	sadd.s32 $0x10, s9;
	v1 =	vld [tilespmem:s8+$0x0]  }
0x15e: {  	_ =	sdelay $0x3  }
0x15f: {  	v2 =	vadd.s32 $0xFFFFFFFF, v1  }
0x160: {  	v3 =	vmov s7;
	vm0 =	vgt.s32 v2, $0x0  }
0x161: {  	v4 =	vor.u32 s7, v0;
	v3 =	vshll.u32 v3, $0x3;
	v2 =	vnsel vm0, $0x0, v2  }
0x162: {  	v4 =	vand.u32 $0x7F, v4;
	v3 =	vand.u32 $0x1C00, v3;
	v5 =	vshll.u32 v2, $0xA  }
0x163: {  	v3 =	vor.u32 v3, v4;
	v2 =	vshll.u32 v2, $0x7;
	v5 =	vand.u32 $0xFFFFE000, v5  }
0x164: {  	v2 =	vand.u32 $0x380, v2;
	v3 =	vor.u32 v5, v3  }
0x165: {  	v2 =	vor.u32 v2, v3;
	_ =	sdelay $0x2  }
0x166: {  	s5 =	sadd.s32 $0x10, s5  }
0x167: {  	v3 =	vld [tilespmem:s5+$0x0]  }
0x168: {  	v2 =	vld.idx.msk [tilespmem:v2+s1+$0x0], $0xffff;
	_ =	sdelay $0x3  }
0x169: {  	vm13 =	veq.s32 v1, $0x0  }
0x16a: {  	s7 =	sadd.s32 $0x10, s6;
	v1 =	vsel vm13, v3, v2  }
0x16b: {  	s8 =	rddreg [dreg:$0x18];
	s5 =	simm.s32 $0x0;
	[tilespmem:s7+$0x0] =	vst v1  }
0x16c: {  	[hbm4b:s8+s5] =	stream.linear.scatter [tilespmem:s28], [sflag:$0x3], $0x400, $0x38;
	[tilespmem:$0x11800] =	vst v63  }
0x16d: {  	s9 =	rddreg [dreg:$0x1e]  }
0x16e: {  	[tilespmem:s29], [sflag:$0x1] =	stream.linear.gather [hbm4b:s9+s5], $0x400, $0x38;
	[tilespmem:$0x11800] =	vst v63  }
0x16f: {  	s7 =	rddreg [dreg:$0x1f]  }
0x170: {  	[tilespmem:s30], [sflag:$0x1] =	stream.linear.gather [hbm4b:s7+s5], $0x400, $0x38;
	[tilespmem:$0x11800] =	vst v63  }
0x171: {  	s8 =	rddreg [dreg:$0x19]  }
0x172: {  	[tilespmem:s5], [sflag:$0x1] =	stream.strided.gather [hbm4b:s8+s21], $0x8000, s22, s21, $0x38;
	[tilespmem:$0x11800] =	vst v63  }
0x173: {  	_ =	swait.ge [sflag:s31], $0x400  }
0x174: {  	[sflag:s31] =	ssyncset.done $0x0  }
0x175: {  	[sflag:s31] =	ssyncadd.s32 $0xFFFFFC00  }
0x176: {  	_ =	swait.ge [sflag:s31], $0x400  }
0x177: {  	[sflag:s31] =	ssyncset.done $0x0  }
0x178: {  	[sflag:s31] =	ssyncadd.s32 $0xFFFFFC00  }
0x179: {  	_ =	swait.ge [sflag:s31], $0x8000  }
0x17a: {  	[sflag:s31] =	ssyncset.done $0x0  }
0x17b: {  	[sflag:s31] =	ssyncadd.s32 $0xFFFF8000  }
0x17c: {  	_ =	swait.ge [sflag:s3], $0x400  }
0x17d: {  	[sflag:s3] =	ssyncset.done $0x0  }
0x17e: {  	s9 =	simm.s32 $0x11000;
	[sflag:s3] =	ssyncadd.s32 $0xFFFFFC00  }
0x17f: {  	v1 =	vld [tilespmem:s9+$0x0];
	_ =	sdelay $0x4  }
0x180: {  	v2 =	vadd.s32 $0xFFFFFFFF, v1  }
0x181: {  	v3 =	vmov s5;
	vm14 =	vgt.s32 v2, $0x0  }
0x182: {  	v62 =	vor.u32 s5, v0;
	v3 =	vshll.u32 v3, $0x3;
	v2 =	vnsel vm14, $0x0, v2  }
0x183: {  	v4 =	vand.u32 $0x7F, v62;
	v3 =	vand.u32 $0x1C00, v3;
	v63 =	vshll.u32 v2, $0xA  }
0x184: {  	v3 =	vor.u32 v3, v4;
	v2 =	vshll.u32 v2, $0x7;
	v5 =	vand.u32 $0xFFFFE000, v63  }
0x185: {  	v2 =	vand.u32 $0x380, v2;
	v3 =	vor.u32 v5, v3  }
0x186: {  	v2 =	vor.u32 v2, v3;
	_ =	sdelay $0x2  }
0x187: {  	s5 =	simm.s32 $0x10C00  }
0x188: {  	v3 =	vld [tilespmem:s5+$0x0]  }
0x189: {  	v2 =	vld.idx.msk [tilespmem:v2+s25+$0x0], $0xffff;
	_ =	sdelay $0x3  }
0x18a: {  	vm15 =	veq.s32 v1, $0x0  }
0x18b: {  	s6 =	simm.s32 $0x11400;
	v1 =	vsel vm15, v3, v2  }
0x18c: {  	s8 =	simm.s32 $0x11010;
	[tilespmem:s6+$0x0] =	vst v1  }
0x18d: {  	s7 =	simm.s32 $0x10;
	s9 =	simm.s32 $0x20;
	v1 =	vld [tilespmem:s8+$0x0]  }
.LBB2_12:
0x18e: {  	p0 =	sne.s32 s9, $0x3F0;
	_ =	sdelay $0x3  }
0x18f: {  	v2 =	vadd.s32 $0xFFFFFFFF, v1  }
0x190: {  	v3 =	vmov s7;
	vm0 =	vgt.s32 v2, $0x0  }
0x191: {  	v4 =	vor.u32 s7, v0;
	s7 =	smov.u32 s9;
	v3 =	vshll.u32 v3, $0x3;
	v2 =	vnsel vm0, $0x0, v2  }
0x192: {  	v4 =	vand.u32 $0x7F, v4;
	v3 =	vand.u32 $0x1C00, v3;
	v5 =	vshll.u32 v2, $0xA  }
0x193: {  	v3 =	vor.u32 v3, v4;
	v2 =	vshll.u32 v2, $0x7;
	v5 =	vand.u32 $0xFFFFE000, v5  }
0x194: {  	v2 =	vand.u32 $0x380, v2;
	v3 =	vor.u32 v5, v3  }
0x195: {  	v2 =	vor.u32 v2, v3;
	_ =	sdelay $0x4  }
0x196: {  	s5 =	sadd.s32 $0x10, s5;
	v2 =	vld.idx.msk [tilespmem:v2+s25+$0x0], $0xffff  }
0x197: {  	v3 =	vld [tilespmem:s5+$0x0];
	_ =	sdelay $0x2  }
.Ltmp5:
0x198: {  	(pc) =	sbr.rel @p0 .LBB2_12-.Ltmp5, $4  }
0x199: {  	vm0 =	veq.s32 v1, $0x0  }
0x19a: {  	s6 =	sadd.s32 $0x10, s6;
	v1 =	vsel vm0, v3, v2  }
0x19b: {  	s8 =	sadd.s32 $0x10, s8;
	[tilespmem:s6+$0x0] =	vst v1  }
0x19c: {  	s9 =	sadd.s32 $0x10, s9;
	v1 =	vld [tilespmem:s8+$0x0]  }
0x19d: {  	_ =	sdelay $0x3  }
0x19e: {  	v2 =	vadd.s32 $0xFFFFFFFF, v1  }
0x19f: {  	v3 =	vmov s7;
	vm0 =	vgt.s32 v2, $0x0  }
0x1a0: {  	v4 =	vor.u32 s7, v0;
	v3 =	vshll.u32 v3, $0x3;
	v2 =	vnsel vm0, $0x0, v2  }
0x1a1: {  	v4 =	vand.u32 $0x7F, v4;
	v3 =	vand.u32 $0x1C00, v3;
	v5 =	vshll.u32 v2, $0xA  }
0x1a2: {  	v3 =	vor.u32 v3, v4;
	v2 =	vshll.u32 v2, $0x7;
	v5 =	vand.u32 $0xFFFFE000, v5  }
0x1a3: {  	v2 =	vand.u32 $0x380, v2;
	v3 =	vor.u32 v5, v3  }
0x1a4: {  	v2 =	vor.u32 v2, v3;
	_ =	sdelay $0x2  }
0x1a5: {  	s5 =	sadd.s32 $0x10, s5  }
0x1a6: {  	v3 =	vld [tilespmem:s5+$0x0]  }
0x1a7: {  	v2 =	vld.idx.msk [tilespmem:v2+s25+$0x0], $0xffff;
	_ =	sdelay $0x3  }
0x1a8: {  	vm13 =	veq.s32 v1, $0x0  }
0x1a9: {  	s7 =	sadd.s32 $0x10, s6;
	s8 =	rddreg [dreg:$0x1c];
	v1 =	vsel vm13, v3, v2  }
0x1aa: {  	s9 =	sld [smem:$0x7F5];
	s5 =	simm.s32 $0x0;
	[tilespmem:s7+$0x0] =	vst v1  }
0x1ab: {  	[hbm4b:s8+s5] =	stream.linear.scatter [tilespmem:s0], [sflag:$0x4], $0x400, $0x38;
	[tilespmem:$0x11800] =	vst v63  }
0x1ac: {  	s7 =	sld [smem:$0x7F6]  }
0x1ad: {  	[tilespmem:s23], [sflag:$0x2] =	stream.linear.gather [hbm4b:s9+s5], $0x400, $0x38;
	[tilespmem:$0x11800] =	vst v63  }
0x1ae: {  	_ = 	snop  }
0x1af: {  	[tilespmem:s24], [sflag:$0x2] =	stream.linear.gather [hbm4b:s7+s5], $0x400, $0x38;
	[tilespmem:$0x11800] =	vst v63  }
0x1b0: {  	s8 =	rddreg [dreg:$0x1d]  }
0x1b1: {  	[tilespmem:s25], [sflag:$0x2] =	stream.strided.gather [hbm4b:s8+s21], $0x8000, s22, s21, $0x38;
	[tilespmem:$0x11800] =	vst v63  }
0x1b2: {  	_ =	swait.ge [sflag:s26], $0x400  }
0x1b3: {  	[sflag:s26] =	ssyncset.done $0x0  }
0x1b4: {  	[sflag:s26] =	ssyncadd.s32 $0xFFFFFC00  }
0x1b5: {  	_ =	swait.ge [sflag:s26], $0x400  }
0x1b6: {  	[sflag:s26] =	ssyncset.done $0x0  }
0x1b7: {  	[sflag:s26] =	ssyncadd.s32 $0xFFFFFC00  }
0x1b8: {  	_ =	swait.ge [sflag:s26], $0x8000  }
0x1b9: {  	[sflag:s26] =	ssyncset.done $0x0  }
0x1ba: {  	[sflag:s26] =	ssyncadd.s32 $0xFFFF8000  }
0x1bb: {  	_ =	swait.ge [sflag:s2], $0x400  }
0x1bc: {  	[sflag:s2] =	ssyncset.done $0x0  }
0x1bd: {  	s9 =	simm.s32 $0x8400;
	[sflag:s2] =	ssyncadd.s32 $0xFFFFFC00  }
0x1be: {  	v1 =	vld [tilespmem:s9+$0x0];
	_ =	sdelay $0x4  }
0x1bf: {  	v2 =	vadd.s32 $0xFFFFFFFF, v1  }
0x1c0: {  	v3 =	vmov s5;
	vm14 =	vgt.s32 v2, $0x0  }
0x1c1: {  	v62 =	vor.u32 s5, v0;
	v3 =	vshll.u32 v3, $0x3;
	v2 =	vnsel vm14, $0x0, v2  }
0x1c2: {  	v4 =	vand.u32 $0x7F, v62;
	v3 =	vand.u32 $0x1C00, v3;
	v63 =	vshll.u32 v2, $0xA  }
0x1c3: {  	v3 =	vor.u32 v3, v4;
	v2 =	vshll.u32 v2, $0x7;
	v5 =	vand.u32 $0xFFFFE000, v63  }
0x1c4: {  	v2 =	vand.u32 $0x380, v2;
	v3 =	vor.u32 v5, v3  }
0x1c5: {  	v2 =	vor.u32 v2, v3;
	_ =	sdelay $0x2  }
0x1c6: {  	s5 =	simm.s32 $0x8000  }
0x1c7: {  	v3 =	vld [tilespmem:s5+$0x0]  }
0x1c8: {  	v2 =	vld.idx.msk [tilespmem:v2+s1+$0x0], $0xffff;
	_ =	sdelay $0x3  }
0x1c9: {  	vm15 =	veq.s32 v1, $0x0  }
0x1ca: {  	s6 =	simm.s32 $0x8800;
	v1 =	vsel vm15, v3, v2  }
0x1cb: {  	s8 =	simm.s32 $0x8410;
	[tilespmem:s6+$0x0] =	vst v1  }
0x1cc: {  	s7 =	simm.s32 $0x10;
	s9 =	simm.s32 $0x20;
	v1 =	vld [tilespmem:s8+$0x0]  }
.LBB2_14:
0x1cd: {  	p0 =	sne.s32 s9, $0x3F0;
	_ =	sdelay $0x3  }
0x1ce: {  	v2 =	vadd.s32 $0xFFFFFFFF, v1  }
0x1cf: {  	v3 =	vmov s7;
	vm0 =	vgt.s32 v2, $0x0  }
0x1d0: {  	v4 =	vor.u32 s7, v0;
	s7 =	smov.u32 s9;
	v3 =	vshll.u32 v3, $0x3;
	v2 =	vnsel vm0, $0x0, v2  }
0x1d1: {  	v4 =	vand.u32 $0x7F, v4;
	v3 =	vand.u32 $0x1C00, v3;
	v5 =	vshll.u32 v2, $0xA  }
0x1d2: {  	v3 =	vor.u32 v3, v4;
	v2 =	vshll.u32 v2, $0x7;
	v5 =	vand.u32 $0xFFFFE000, v5  }
0x1d3: {  	v2 =	vand.u32 $0x380, v2;
	v3 =	vor.u32 v5, v3  }
0x1d4: {  	v2 =	vor.u32 v2, v3;
	_ =	sdelay $0x4  }
0x1d5: {  	s5 =	sadd.s32 $0x10, s5;
	v2 =	vld.idx.msk [tilespmem:v2+s1+$0x0], $0xffff  }
0x1d6: {  	v3 =	vld [tilespmem:s5+$0x0];
	_ =	sdelay $0x2  }
.Ltmp6:
0x1d7: {  	(pc) =	sbr.rel @p0 .LBB2_14-.Ltmp6, $4  }
0x1d8: {  	vm0 =	veq.s32 v1, $0x0  }
0x1d9: {  	s6 =	sadd.s32 $0x10, s6;
	v1 =	vsel vm0, v3, v2  }
0x1da: {  	s8 =	sadd.s32 $0x10, s8;
	[tilespmem:s6+$0x0] =	vst v1  }
0x1db: {  	s9 =	sadd.s32 $0x10, s9;
	v1 =	vld [tilespmem:s8+$0x0]  }
0x1dc: {  	_ =	sdelay $0x3  }
0x1dd: {  	v2 =	vadd.s32 $0xFFFFFFFF, v1  }
0x1de: {  	v3 =	vmov s7;
	vm0 =	vgt.s32 v2, $0x0  }
0x1df: {  	v4 =	vor.u32 s7, v0;
	v3 =	vshll.u32 v3, $0x3;
	v2 =	vnsel vm0, $0x0, v2  }
0x1e0: {  	v4 =	vand.u32 $0x7F, v4;
	v3 =	vand.u32 $0x1C00, v3;
	v5 =	vshll.u32 v2, $0xA  }
0x1e1: {  	v3 =	vor.u32 v3, v4;
	v2 =	vshll.u32 v2, $0x7;
	v5 =	vand.u32 $0xFFFFE000, v5  }
0x1e2: {  	v2 =	vand.u32 $0x380, v2;
	v3 =	vor.u32 v5, v3  }
0x1e3: {  	v2 =	vor.u32 v2, v3;
	_ =	sdelay $0x2  }
0x1e4: {  	s5 =	sadd.s32 $0x10, s5  }
0x1e5: {  	v3 =	vld [tilespmem:s5+$0x0]  }
0x1e6: {  	v2 =	vld.idx.msk [tilespmem:v2+s1+$0x0], $0xffff;
	_ =	sdelay $0x3  }
0x1e7: {  	s8 =	sld [smem:$0x7F3];
	vm13 =	veq.s32 v1, $0x0  }
0x1e8: {  	s7 =	sadd.s32 $0x10, s6;
	v1 =	vsel vm13, v3, v2  }
0x1e9: {  	s9 =	sld [smem:$0x7F9];
	s5 =	simm.s32 $0x0;
	[tilespmem:s7+$0x0] =	vst v1  }
0x1ea: {  	[hbm4b:s8+s5] =	stream.linear.scatter [tilespmem:s28], [sflag:$0x3], $0x400, $0x38;
	[tilespmem:$0x11800] =	vst v63  }
0x1eb: {  	s7 =	sld [smem:$0x7FA]  }
0x1ec: {  	[tilespmem:s29], [sflag:$0x1] =	stream.linear.gather [hbm4b:s9+s5], $0x400, $0x38;
	[tilespmem:$0x11800] =	vst v63  }
0x1ed: {  	s8 =	sld [smem:$0x7F4]  }
0x1ee: {  	[tilespmem:s30], [sflag:$0x1] =	stream.linear.gather [hbm4b:s7+s5], $0x400, $0x38;
	[tilespmem:$0x11800] =	vst v63  }
0x1ef: {  	_ = 	snop  }
0x1f0: {  	[tilespmem:s5], [sflag:$0x1] =	stream.strided.gather [hbm4b:s8+s21], $0x8000, s22, s21, $0x38;
	[tilespmem:$0x11800] =	vst v63  }
0x1f1: {  	_ =	swait.ge [sflag:s31], $0x400  }
0x1f2: {  	[sflag:s31] =	ssyncset.done $0x0  }
0x1f3: {  	[sflag:s31] =	ssyncadd.s32 $0xFFFFFC00  }
0x1f4: {  	_ =	swait.ge [sflag:s31], $0x400  }
0x1f5: {  	[sflag:s31] =	ssyncset.done $0x0  }
0x1f6: {  	[sflag:s31] =	ssyncadd.s32 $0xFFFFFC00  }
0x1f7: {  	_ =	swait.ge [sflag:s31], $0x8000  }
0x1f8: {  	[sflag:s31] =	ssyncset.done $0x0  }
0x1f9: {  	[sflag:s31] =	ssyncadd.s32 $0xFFFF8000  }
0x1fa: {  	_ =	swait.ge [sflag:s3], $0x400  }
0x1fb: {  	[sflag:s3] =	ssyncset.done $0x0  }
0x1fc: {  	s9 =	simm.s32 $0x11000;
	[sflag:s3] =	ssyncadd.s32 $0xFFFFFC00  }
0x1fd: {  	v1 =	vld [tilespmem:s9+$0x0];
	_ =	sdelay $0x4  }
0x1fe: {  	v2 =	vadd.s32 $0xFFFFFFFF, v1  }
0x1ff: {  	v3 =	vmov s5;
	vm14 =	vgt.s32 v2, $0x0  }
0x200: {  	v62 =	vor.u32 s5, v0;
	v3 =	vshll.u32 v3, $0x3;
	v2 =	vnsel vm14, $0x0, v2  }
0x201: {  	v4 =	vand.u32 $0x7F, v62;
	v3 =	vand.u32 $0x1C00, v3;
	v63 =	vshll.u32 v2, $0xA  }
0x202: {  	v3 =	vor.u32 v3, v4;
	v2 =	vshll.u32 v2, $0x7;
	v5 =	vand.u32 $0xFFFFE000, v63  }
0x203: {  	v2 =	vand.u32 $0x380, v2;
	v3 =	vor.u32 v5, v3  }
0x204: {  	v2 =	vor.u32 v2, v3;
	_ =	sdelay $0x2  }
0x205: {  	s5 =	simm.s32 $0x10C00  }
0x206: {  	v3 =	vld [tilespmem:s5+$0x0]  }
0x207: {  	v2 =	vld.idx.msk [tilespmem:v2+s25+$0x0], $0xffff;
	_ =	sdelay $0x3  }
0x208: {  	vm15 =	veq.s32 v1, $0x0  }
0x209: {  	s6 =	simm.s32 $0x11400;
	v1 =	vsel vm15, v3, v2  }
0x20a: {  	s8 =	simm.s32 $0x11010;
	[tilespmem:s6+$0x0] =	vst v1  }
0x20b: {  	s7 =	simm.s32 $0x10;
	s9 =	simm.s32 $0x20;
	v1 =	vld [tilespmem:s8+$0x0]  }
.LBB2_16:
0x20c: {  	p0 =	sne.s32 s9, $0x3F0;
	_ =	sdelay $0x3  }
0x20d: {  	v2 =	vadd.s32 $0xFFFFFFFF, v1  }
0x20e: {  	v3 =	vmov s7;
	vm0 =	vgt.s32 v2, $0x0  }
0x20f: {  	v4 =	vor.u32 s7, v0;
	s7 =	smov.u32 s9;
	v3 =	vshll.u32 v3, $0x3;
	v2 =	vnsel vm0, $0x0, v2  }
0x210: {  	v4 =	vand.u32 $0x7F, v4;
	v3 =	vand.u32 $0x1C00, v3;
	v5 =	vshll.u32 v2, $0xA  }
0x211: {  	v3 =	vor.u32 v3, v4;
	v2 =	vshll.u32 v2, $0x7;
	v5 =	vand.u32 $0xFFFFE000, v5  }
0x212: {  	v2 =	vand.u32 $0x380, v2;
	v3 =	vor.u32 v5, v3  }
0x213: {  	v2 =	vor.u32 v2, v3;
	_ =	sdelay $0x4  }
0x214: {  	s5 =	sadd.s32 $0x10, s5;
	v2 =	vld.idx.msk [tilespmem:v2+s25+$0x0], $0xffff  }
0x215: {  	v3 =	vld [tilespmem:s5+$0x0];
	_ =	sdelay $0x2  }
.Ltmp7:
0x216: {  	(pc) =	sbr.rel @p0 .LBB2_16-.Ltmp7, $4  }
0x217: {  	vm0 =	veq.s32 v1, $0x0  }
0x218: {  	s6 =	sadd.s32 $0x10, s6;
	v1 =	vsel vm0, v3, v2  }
0x219: {  	s8 =	sadd.s32 $0x10, s8;
	[tilespmem:s6+$0x0] =	vst v1  }
0x21a: {  	s9 =	sadd.s32 $0x10, s9;
	v1 =	vld [tilespmem:s8+$0x0]  }
0x21b: {  	_ =	sdelay $0x3  }
0x21c: {  	v2 =	vadd.s32 $0xFFFFFFFF, v1  }
0x21d: {  	v3 =	vmov s7;
	vm0 =	vgt.s32 v2, $0x0  }
0x21e: {  	v4 =	vor.u32 s7, v0;
	v3 =	vshll.u32 v3, $0x3;
	v2 =	vnsel vm0, $0x0, v2  }
0x21f: {  	v4 =	vand.u32 $0x7F, v4;
	v3 =	vand.u32 $0x1C00, v3;
	v5 =	vshll.u32 v2, $0xA  }
0x220: {  	v3 =	vor.u32 v3, v4;
	v2 =	vshll.u32 v2, $0x7;
	v5 =	vand.u32 $0xFFFFE000, v5  }
0x221: {  	v2 =	vand.u32 $0x380, v2;
	v3 =	vor.u32 v5, v3  }
0x222: {  	v2 =	vor.u32 v2, v3;
	_ =	sdelay $0x2  }
0x223: {  	s5 =	sadd.s32 $0x10, s5  }
0x224: {  	v3 =	vld [tilespmem:s5+$0x0]  }
0x225: {  	v2 =	vld.idx.msk [tilespmem:v2+s25+$0x0], $0xffff;
	_ =	sdelay $0x3  }
0x226: {  	s7 =	sld [smem:$0x7F7];
	vm13 =	veq.s32 v1, $0x0  }
0x227: {  	s6 =	sadd.s32 $0x10, s6;
	v1 =	vsel vm13, v3, v2  }
0x228: {  	s5 =	simm.s32 $0x0;
	[tilespmem:s6+$0x0] =	vst v1  }
0x229: {  	[hbm4b:s7+s5] =	stream.linear.scatter [tilespmem:s0], [sflag:$0x4], $0x400, $0x38;
	[tilespmem:$0x11800] =	vst v63  }
0x22a: {  	_ = 	snop  }
0x22b: {  	[tilespmem:s23], [sflag:$0x2] =	stream.linear.gather [hbm4b:s11+s5], $0x400, $0x38;
	[tilespmem:$0x11800] =	vst v63  }
0x22c: {  	s8 =	sld [smem:$0x7F8]  }
0x22d: {  	[tilespmem:s24], [sflag:$0x2] =	stream.linear.gather [hbm4b:s12+s5], $0x400, $0x38;
	[tilespmem:$0x11800] =	vst v63  }
0x22e: {  	_ = 	snop  }
0x22f: {  	[tilespmem:s25], [sflag:$0x2] =	stream.strided.gather [hbm4b:s8+s21], $0x8000, s22, s21, $0x38;
	[tilespmem:$0x11800] =	vst v63  }
0x230: {  	_ =	swait.ge [sflag:s26], $0x400  }
0x231: {  	[sflag:s26] =	ssyncset.done $0x0  }
0x232: {  	[sflag:s26] =	ssyncadd.s32 $0xFFFFFC00  }
0x233: {  	_ =	swait.ge [sflag:s26], $0x400  }
0x234: {  	[sflag:s26] =	ssyncset.done $0x0  }
0x235: {  	[sflag:s26] =	ssyncadd.s32 $0xFFFFFC00  }
0x236: {  	_ =	swait.ge [sflag:s26], $0x8000  }
0x237: {  	[sflag:s26] =	ssyncset.done $0x0  }
0x238: {  	[sflag:s26] =	ssyncadd.s32 $0xFFFF8000  }
0x239: {  	_ =	swait.ge [sflag:s2], $0x400  }
0x23a: {  	[sflag:s2] =	ssyncset.done $0x0  }
0x23b: {  	s9 =	simm.s32 $0x8400;
	[sflag:s2] =	ssyncadd.s32 $0xFFFFFC00  }
0x23c: {  	v1 =	vld [tilespmem:s9+$0x0];
	_ =	sdelay $0x4  }
0x23d: {  	v2 =	vadd.s32 $0xFFFFFFFF, v1  }
0x23e: {  	v3 =	vmov s5;
	vm14 =	vgt.s32 v2, $0x0  }
0x23f: {  	v62 =	vor.u32 s5, v0;
	v3 =	vshll.u32 v3, $0x3;
	v2 =	vnsel vm14, $0x0, v2  }
0x240: {  	v4 =	vand.u32 $0x7F, v62;
	v3 =	vand.u32 $0x1C00, v3;
	v63 =	vshll.u32 v2, $0xA  }
0x241: {  	v3 =	vor.u32 v3, v4;
	v2 =	vshll.u32 v2, $0x7;
	v5 =	vand.u32 $0xFFFFE000, v63  }
0x242: {  	v2 =	vand.u32 $0x380, v2;
	v3 =	vor.u32 v5, v3  }
0x243: {  	v2 =	vor.u32 v2, v3;
	_ =	sdelay $0x2  }
0x244: {  	s5 =	simm.s32 $0x8000  }
0x245: {  	v3 =	vld [tilespmem:s5+$0x0]  }
0x246: {  	v2 =	vld.idx.msk [tilespmem:v2+s1+$0x0], $0xffff;
	_ =	sdelay $0x3  }
0x247: {  	vm15 =	veq.s32 v1, $0x0  }
0x248: {  	s6 =	simm.s32 $0x8800;
	v1 =	vsel vm15, v3, v2  }
0x249: {  	s8 =	simm.s32 $0x8410;
	[tilespmem:s6+$0x0] =	vst v1  }
0x24a: {  	s7 =	simm.s32 $0x10;
	s9 =	simm.s32 $0x20;
	v1 =	vld [tilespmem:s8+$0x0]  }
.LBB2_18:
0x24b: {  	p0 =	sne.s32 s9, $0x3F0;
	_ =	sdelay $0x3  }
0x24c: {  	v2 =	vadd.s32 $0xFFFFFFFF, v1  }
0x24d: {  	v3 =	vmov s7;
	vm0 =	vgt.s32 v2, $0x0  }
0x24e: {  	v4 =	vor.u32 s7, v0;
	s7 =	smov.u32 s9;
	v3 =	vshll.u32 v3, $0x3;
	v2 =	vnsel vm0, $0x0, v2  }
0x24f: {  	v4 =	vand.u32 $0x7F, v4;
	v3 =	vand.u32 $0x1C00, v3;
	v5 =	vshll.u32 v2, $0xA  }
0x250: {  	v3 =	vor.u32 v3, v4;
	v2 =	vshll.u32 v2, $0x7;
	v5 =	vand.u32 $0xFFFFE000, v5  }
0x251: {  	v2 =	vand.u32 $0x380, v2;
	v3 =	vor.u32 v5, v3  }
0x252: {  	v2 =	vor.u32 v2, v3;
	_ =	sdelay $0x4  }
0x253: {  	s5 =	sadd.s32 $0x10, s5;
	v2 =	vld.idx.msk [tilespmem:v2+s1+$0x0], $0xffff  }
0x254: {  	v3 =	vld [tilespmem:s5+$0x0];
	_ =	sdelay $0x2  }
.Ltmp8:
0x255: {  	(pc) =	sbr.rel @p0 .LBB2_18-.Ltmp8, $4  }
0x256: {  	vm0 =	veq.s32 v1, $0x0  }
0x257: {  	s6 =	sadd.s32 $0x10, s6;
	v1 =	vsel vm0, v3, v2  }
0x258: {  	s8 =	sadd.s32 $0x10, s8;
	[tilespmem:s6+$0x0] =	vst v1  }
0x259: {  	s9 =	sadd.s32 $0x10, s9;
	v1 =	vld [tilespmem:s8+$0x0]  }
0x25a: {  	_ =	sdelay $0x3  }
0x25b: {  	v2 =	vadd.s32 $0xFFFFFFFF, v1  }
0x25c: {  	v3 =	vmov s7;
	vm0 =	vgt.s32 v2, $0x0  }
0x25d: {  	v4 =	vor.u32 s7, v0;
	v3 =	vshll.u32 v3, $0x3;
	v2 =	vnsel vm0, $0x0, v2  }
0x25e: {  	v4 =	vand.u32 $0x7F, v4;
	v3 =	vand.u32 $0x1C00, v3;
	v5 =	vshll.u32 v2, $0xA  }
0x25f: {  	v3 =	vor.u32 v3, v4;
	v2 =	vshll.u32 v2, $0x7;
	v5 =	vand.u32 $0xFFFFE000, v5  }
0x260: {  	v2 =	vand.u32 $0x380, v2;
	v3 =	vor.u32 v5, v3  }
0x261: {  	v2 =	vor.u32 v2, v3;
	_ =	sdelay $0x2  }
0x262: {  	s5 =	sadd.s32 $0x10, s5  }
0x263: {  	v3 =	vld [tilespmem:s5+$0x0]  }
0x264: {  	v2 =	vld.idx.msk [tilespmem:v2+s1+$0x0], $0xffff;
	_ =	sdelay $0x3  }
0x265: {  	s7 =	sld [smem:$0x7FB];
	vm13 =	veq.s32 v1, $0x0  }
0x266: {  	s6 =	sadd.s32 $0x10, s6;
	v1 =	vsel vm13, v3, v2  }
0x267: {  	s5 =	simm.s32 $0x0;
	[tilespmem:s6+$0x0] =	vst v1  }
0x268: {  	[hbm4b:s7+s5] =	stream.linear.scatter [tilespmem:s28], [sflag:$0x3], $0x400, $0x38;
	[tilespmem:$0x11800] =	vst v63  }
0x269: {  	_ = 	snop  }
0x26a: {  	[tilespmem:s29], [sflag:$0x1] =	stream.linear.gather [hbm4b:s14+s5], $0x400, $0x38;
	[tilespmem:$0x11800] =	vst v63  }
0x26b: {  	s8 =	sld [smem:$0x7FD]  }
0x26c: {  	[tilespmem:s30], [sflag:$0x1] =	stream.linear.gather [hbm4b:s16+s5], $0x400, $0x38;
	[tilespmem:$0x11800] =	vst v63  }
0x26d: {  	_ = 	snop  }
0x26e: {  	[tilespmem:s5], [sflag:$0x1] =	stream.strided.gather [hbm4b:s8+s21], $0x8000, s22, s21, $0x38;
	[tilespmem:$0x11800] =	vst v63  }
0x26f: {  	_ =	swait.ge [sflag:s31], $0x400  }
0x270: {  	[sflag:s31] =	ssyncset.done $0x0  }
0x271: {  	[sflag:s31] =	ssyncadd.s32 $0xFFFFFC00  }
0x272: {  	_ =	swait.ge [sflag:s31], $0x400  }
0x273: {  	[sflag:s31] =	ssyncset.done $0x0  }
0x274: {  	[sflag:s31] =	ssyncadd.s32 $0xFFFFFC00  }
0x275: {  	_ =	swait.ge [sflag:s31], $0x8000  }
0x276: {  	[sflag:s31] =	ssyncset.done $0x0  }
0x277: {  	[sflag:s31] =	ssyncadd.s32 $0xFFFF8000  }
0x278: {  	_ =	swait.ge [sflag:s3], $0x400  }
0x279: {  	[sflag:s3] =	ssyncset.done $0x0  }
0x27a: {  	s9 =	simm.s32 $0x11000;
	[sflag:s3] =	ssyncadd.s32 $0xFFFFFC00  }
0x27b: {  	v1 =	vld [tilespmem:s9+$0x0];
	_ =	sdelay $0x4  }
0x27c: {  	v2 =	vadd.s32 $0xFFFFFFFF, v1  }
0x27d: {  	v3 =	vmov s5;
	vm14 =	vgt.s32 v2, $0x0  }
0x27e: {  	v62 =	vor.u32 s5, v0;
	v3 =	vshll.u32 v3, $0x3;
	v2 =	vnsel vm14, $0x0, v2  }
0x27f: {  	v4 =	vand.u32 $0x7F, v62;
	v3 =	vand.u32 $0x1C00, v3;
	v63 =	vshll.u32 v2, $0xA  }
0x280: {  	v3 =	vor.u32 v3, v4;
	v2 =	vshll.u32 v2, $0x7;
	v5 =	vand.u32 $0xFFFFE000, v63  }
0x281: {  	v2 =	vand.u32 $0x380, v2;
	v3 =	vor.u32 v5, v3  }
0x282: {  	v2 =	vor.u32 v2, v3;
	_ =	sdelay $0x2  }
0x283: {  	s5 =	simm.s32 $0x10C00  }
0x284: {  	v3 =	vld [tilespmem:s5+$0x0]  }
0x285: {  	v2 =	vld.idx.msk [tilespmem:v2+s25+$0x0], $0xffff;
	_ =	sdelay $0x3  }
0x286: {  	vm15 =	veq.s32 v1, $0x0  }
0x287: {  	s6 =	simm.s32 $0x11400;
	v1 =	vsel vm15, v3, v2  }
0x288: {  	s8 =	simm.s32 $0x11010;
	[tilespmem:s6+$0x0] =	vst v1  }
0x289: {  	s7 =	simm.s32 $0x10;
	s9 =	simm.s32 $0x20;
	v1 =	vld [tilespmem:s8+$0x0]  }
.LBB2_20:
0x28a: {  	p0 =	sne.s32 s9, $0x3F0;
	_ =	sdelay $0x3  }
0x28b: {  	v2 =	vadd.s32 $0xFFFFFFFF, v1  }
0x28c: {  	v3 =	vmov s7;
	vm0 =	vgt.s32 v2, $0x0  }
0x28d: {  	v4 =	vor.u32 s7, v0;
	s7 =	smov.u32 s9;
	v3 =	vshll.u32 v3, $0x3;
	v2 =	vnsel vm0, $0x0, v2  }
0x28e: {  	v4 =	vand.u32 $0x7F, v4;
	v3 =	vand.u32 $0x1C00, v3;
	v5 =	vshll.u32 v2, $0xA  }
0x28f: {  	v3 =	vor.u32 v3, v4;
	v2 =	vshll.u32 v2, $0x7;
	v5 =	vand.u32 $0xFFFFE000, v5  }
0x290: {  	v2 =	vand.u32 $0x380, v2;
	v3 =	vor.u32 v5, v3  }
0x291: {  	v2 =	vor.u32 v2, v3;
	_ =	sdelay $0x4  }
0x292: {  	s5 =	sadd.s32 $0x10, s5;
	v2 =	vld.idx.msk [tilespmem:v2+s25+$0x0], $0xffff  }
0x293: {  	v3 =	vld [tilespmem:s5+$0x0];
	_ =	sdelay $0x2  }
.Ltmp9:
0x294: {  	(pc) =	sbr.rel @p0 .LBB2_20-.Ltmp9, $4  }
0x295: {  	vm0 =	veq.s32 v1, $0x0  }
0x296: {  	s6 =	sadd.s32 $0x10, s6;
	v1 =	vsel vm0, v3, v2  }
0x297: {  	s8 =	sadd.s32 $0x10, s8;
	[tilespmem:s6+$0x0] =	vst v1  }
0x298: {  	s9 =	sadd.s32 $0x10, s9;
	v1 =	vld [tilespmem:s8+$0x0]  }
0x299: {  	_ =	sdelay $0x3  }
0x29a: {  	v2 =	vadd.s32 $0xFFFFFFFF, v1  }
0x29b: {  	v3 =	vmov s7;
	vm0 =	vgt.s32 v2, $0x0  }
0x29c: {  	v4 =	vor.u32 s7, v0;
	v3 =	vshll.u32 v3, $0x3;
	v2 =	vnsel vm0, $0x0, v2  }
0x29d: {  	v4 =	vand.u32 $0x7F, v4;
	v3 =	vand.u32 $0x1C00, v3;
	v5 =	vshll.u32 v2, $0xA  }
0x29e: {  	v3 =	vor.u32 v3, v4;
	v2 =	vshll.u32 v2, $0x7;
	v5 =	vand.u32 $0xFFFFE000, v5  }
0x29f: {  	v2 =	vand.u32 $0x380, v2;
	v3 =	vor.u32 v5, v3  }
0x2a0: {  	v2 =	vor.u32 v2, v3;
	_ =	sdelay $0x2  }
0x2a1: {  	s5 =	sadd.s32 $0x10, s5  }
0x2a2: {  	v3 =	vld [tilespmem:s5+$0x0]  }
0x2a3: {  	v2 =	vld.idx.msk [tilespmem:v2+s25+$0x0], $0xffff;
	_ =	sdelay $0x3  }
0x2a4: {  	vm13 =	veq.s32 v1, $0x0  }
0x2a5: {  	s7 =	sadd.s32 $0x10, s6;
	v1 =	vsel vm13, v3, v2  }
0x2a6: {  	s8 =	simm.s32 $0x0;
	[tilespmem:s7+$0x0] =	vst v1  }
0x2a7: {  	[hbm4b:s13+s8] =	stream.linear.scatter [tilespmem:s0], [sflag:$0x4], $0x400, $0x38;
	[tilespmem:$0x11800] =	vst v63  }
0x2a8: {  	_ = 	snop  }
0x2a9: {  	[tilespmem:s23], [sflag:$0x2] =	stream.linear.gather [hbm4b:s15+s8], $0x400, $0x38;
	[tilespmem:$0x11800] =	vst v63  }
0x2aa: {  	_ = 	snop  }
0x2ab: {  	[tilespmem:s24], [sflag:$0x2] =	stream.linear.gather [hbm4b:s17+s8], $0x400, $0x38;
	[tilespmem:$0x11800] =	vst v63  }
0x2ac: {  	_ = 	snop  }
0x2ad: {  	[tilespmem:s25], [sflag:$0x2] =	stream.strided.gather [hbm4b:s10+s21], $0x8000, s22, s21, $0x38;
	[tilespmem:$0x11800] =	vst v63  }
0x2ae: {  	_ =	swait.ge [sflag:s26], $0x400  }
0x2af: {  	[sflag:s26] =	ssyncset.done $0x0  }
0x2b0: {  	[sflag:s26] =	ssyncadd.s32 $0xFFFFFC00  }
0x2b1: {  	_ =	swait.ge [sflag:s26], $0x400  }
0x2b2: {  	[sflag:s26] =	ssyncset.done $0x0  }
0x2b3: {  	[sflag:s26] =	ssyncadd.s32 $0xFFFFFC00  }
0x2b4: {  	_ =	swait.ge [sflag:s26], $0x8000  }
0x2b5: {  	[sflag:s26] =	ssyncset.done $0x0  }
0x2b6: {  	[sflag:s26] =	ssyncadd.s32 $0xFFFF8000  }
0x2b7: {  	_ =	swait.ge [sflag:s2], $0x400  }
0x2b8: {  	[sflag:s2] =	ssyncset.done $0x0  }
0x2b9: {  	s9 =	simm.s32 $0x8400;
	[sflag:s2] =	ssyncadd.s32 $0xFFFFFC00  }
0x2ba: {  	v1 =	vld [tilespmem:s9+$0x0];
	_ =	sdelay $0x4  }
0x2bb: {  	v2 =	vadd.s32 $0xFFFFFFFF, v1  }
0x2bc: {  	v3 =	vmov s8;
	vm14 =	vgt.s32 v2, $0x0  }
0x2bd: {  	v62 =	vor.u32 s8, v0;
	v3 =	vshll.u32 v3, $0x3;
	v2 =	vnsel vm14, $0x0, v2  }
0x2be: {  	v4 =	vand.u32 $0x7F, v62;
	v3 =	vand.u32 $0x1C00, v3;
	v63 =	vshll.u32 v2, $0xA  }
0x2bf: {  	v3 =	vor.u32 v3, v4;
	v2 =	vshll.u32 v2, $0x7;
	v5 =	vand.u32 $0xFFFFE000, v63  }
0x2c0: {  	v2 =	vand.u32 $0x380, v2;
	v3 =	vor.u32 v5, v3  }
0x2c1: {  	v2 =	vor.u32 v2, v3;
	_ =	sdelay $0x2  }
0x2c2: {  	s5 =	simm.s32 $0x8000  }
0x2c3: {  	v3 =	vld [tilespmem:s5+$0x0]  }
0x2c4: {  	v2 =	vld.idx.msk [tilespmem:v2+s1+$0x0], $0xffff;
	_ =	sdelay $0x3  }
0x2c5: {  	vm15 =	veq.s32 v1, $0x0  }
0x2c6: {  	s6 =	simm.s32 $0x8800;
	v1 =	vsel vm15, v3, v2  }
0x2c7: {  	s8 =	simm.s32 $0x8410;
	[tilespmem:s6+$0x0] =	vst v1  }
0x2c8: {  	s7 =	simm.s32 $0x10;
	s9 =	simm.s32 $0x20;
	v1 =	vld [tilespmem:s8+$0x0]  }
.LBB2_22:
0x2c9: {  	p0 =	sne.s32 s9, $0x3F0;
	_ =	sdelay $0x3  }
0x2ca: {  	v2 =	vadd.s32 $0xFFFFFFFF, v1  }
0x2cb: {  	v3 =	vmov s7;
	vm0 =	vgt.s32 v2, $0x0  }
0x2cc: {  	v4 =	vor.u32 s7, v0;
	s7 =	smov.u32 s9;
	v3 =	vshll.u32 v3, $0x3;
	v2 =	vnsel vm0, $0x0, v2  }
0x2cd: {  	v4 =	vand.u32 $0x7F, v4;
	v3 =	vand.u32 $0x1C00, v3;
	v5 =	vshll.u32 v2, $0xA  }
0x2ce: {  	v3 =	vor.u32 v3, v4;
	v2 =	vshll.u32 v2, $0x7;
	v5 =	vand.u32 $0xFFFFE000, v5  }
0x2cf: {  	v2 =	vand.u32 $0x380, v2;
	v3 =	vor.u32 v5, v3  }
0x2d0: {  	v2 =	vor.u32 v2, v3;
	_ =	sdelay $0x4  }
0x2d1: {  	s5 =	sadd.s32 $0x10, s5;
	v2 =	vld.idx.msk [tilespmem:v2+s1+$0x0], $0xffff  }
0x2d2: {  	v3 =	vld [tilespmem:s5+$0x0];
	_ =	sdelay $0x2  }
.Ltmp10:
0x2d3: {  	(pc) =	sbr.rel @p0 .LBB2_22-.Ltmp10, $4  }
0x2d4: {  	vm0 =	veq.s32 v1, $0x0  }
0x2d5: {  	s6 =	sadd.s32 $0x10, s6;
	v1 =	vsel vm0, v3, v2  }
0x2d6: {  	s8 =	sadd.s32 $0x10, s8;
	[tilespmem:s6+$0x0] =	vst v1  }
0x2d7: {  	s9 =	sadd.s32 $0x10, s9;
	v1 =	vld [tilespmem:s8+$0x0]  }
0x2d8: {  	_ =	sdelay $0x3  }
0x2d9: {  	v2 =	vadd.s32 $0xFFFFFFFF, v1  }
0x2da: {  	v3 =	vmov s7;
	vm0 =	vgt.s32 v2, $0x0  }
0x2db: {  	v4 =	vor.u32 s7, v0;
	v3 =	vshll.u32 v3, $0x3;
	v2 =	vnsel vm0, $0x0, v2  }
0x2dc: {  	v4 =	vand.u32 $0x7F, v4;
	v3 =	vand.u32 $0x1C00, v3;
	v5 =	vshll.u32 v2, $0xA  }
0x2dd: {  	v3 =	vor.u32 v3, v4;
	v2 =	vshll.u32 v2, $0x7;
	v5 =	vand.u32 $0xFFFFE000, v5  }
0x2de: {  	v2 =	vand.u32 $0x380, v2;
	v3 =	vor.u32 v5, v3  }
0x2df: {  	v2 =	vor.u32 v2, v3;
	_ =	sdelay $0x2  }
0x2e0: {  	s5 =	sadd.s32 $0x10, s5  }
0x2e1: {  	v3 =	vld [tilespmem:s5+$0x0]  }
0x2e2: {  	v2 =	vld.idx.msk [tilespmem:v2+s1+$0x0], $0xffff;
	_ =	sdelay $0x3  }
0x2e3: {  	vm13 =	veq.s32 v1, $0x0  }
0x2e4: {  	s7 =	sadd.s32 $0x10, s6;
	v1 =	vsel vm13, v3, v2  }
0x2e5: {  	s8 =	simm.s32 $0x0;
	[tilespmem:s7+$0x0] =	vst v1  }
0x2e6: {  	[hbm4b:s18+s8] =	stream.linear.scatter [tilespmem:s28], [sflag:$0x3], $0x400, $0x38;
	[tilespmem:$0x11800] =	vst v63  }
0x2e7: {  	_ =	swait.ge [sflag:s31], $0x400  }
0x2e8: {  	[sflag:s31] =	ssyncset.done $0x0  }
0x2e9: {  	[sflag:s31] =	ssyncadd.s32 $0xFFFFFC00  }
0x2ea: {  	_ =	swait.ge [sflag:s31], $0x400  }
0x2eb: {  	[sflag:s31] =	ssyncset.done $0x0  }
0x2ec: {  	[sflag:s31] =	ssyncadd.s32 $0xFFFFFC00  }
0x2ed: {  	_ =	swait.ge [sflag:s31], $0x8000  }
0x2ee: {  	[sflag:s31] =	ssyncset.done $0x0  }
0x2ef: {  	[sflag:s31] =	ssyncadd.s32 $0xFFFF8000  }
0x2f0: {  	_ =	swait.ge [sflag:s3], $0x400  }
0x2f1: {  	[sflag:s3] =	ssyncset.done $0x0  }
0x2f2: {  	s9 =	simm.s32 $0x11000;
	[sflag:s3] =	ssyncadd.s32 $0xFFFFFC00  }
0x2f3: {  	v1 =	vld [tilespmem:s9+$0x0];
	_ =	sdelay $0x4  }
0x2f4: {  	v2 =	vadd.s32 $0xFFFFFFFF, v1  }
0x2f5: {  	v3 =	vmov s8;
	vm14 =	vgt.s32 v2, $0x0  }
0x2f6: {  	v62 =	vor.u32 s8, v0;
	v3 =	vshll.u32 v3, $0x3;
	v2 =	vnsel vm14, $0x0, v2  }
0x2f7: {  	v4 =	vand.u32 $0x7F, v62;
	v3 =	vand.u32 $0x1C00, v3;
	v63 =	vshll.u32 v2, $0xA  }
0x2f8: {  	v3 =	vor.u32 v3, v4;
	v2 =	vshll.u32 v2, $0x7;
	v5 =	vand.u32 $0xFFFFE000, v63  }
0x2f9: {  	v2 =	vand.u32 $0x380, v2;
	v3 =	vor.u32 v5, v3  }
0x2fa: {  	v2 =	vor.u32 v2, v3;
	_ =	sdelay $0x2  }
0x2fb: {  	s5 =	simm.s32 $0x10C00  }
0x2fc: {  	v3 =	vld [tilespmem:s5+$0x0]  }
0x2fd: {  	v2 =	vld.idx.msk [tilespmem:v2+s25+$0x0], $0xffff;
	_ =	sdelay $0x3  }
0x2fe: {  	vm15 =	veq.s32 v1, $0x0  }
0x2ff: {  	s6 =	simm.s32 $0x11400;
	v1 =	vsel vm15, v3, v2  }
0x300: {  	s8 =	simm.s32 $0x11010;
	[tilespmem:s6+$0x0] =	vst v1  }
0x301: {  	s7 =	simm.s32 $0x10;
	s9 =	simm.s32 $0x20;
	v1 =	vld [tilespmem:s8+$0x0]  }
.LBB2_24:
0x302: {  	p0 =	sne.s32 s9, $0x3F0;
	_ =	sdelay $0x3  }
0x303: {  	v2 =	vadd.s32 $0xFFFFFFFF, v1  }
0x304: {  	v3 =	vmov s7;
	vm0 =	vgt.s32 v2, $0x0  }
0x305: {  	v4 =	vor.u32 s7, v0;
	s7 =	smov.u32 s9;
	v3 =	vshll.u32 v3, $0x3;
	v2 =	vnsel vm0, $0x0, v2  }
0x306: {  	v4 =	vand.u32 $0x7F, v4;
	v3 =	vand.u32 $0x1C00, v3;
	v5 =	vshll.u32 v2, $0xA  }
0x307: {  	v3 =	vor.u32 v3, v4;
	v2 =	vshll.u32 v2, $0x7;
	v5 =	vand.u32 $0xFFFFE000, v5  }
0x308: {  	v2 =	vand.u32 $0x380, v2;
	v3 =	vor.u32 v5, v3  }
0x309: {  	v2 =	vor.u32 v2, v3;
	_ =	sdelay $0x4  }
0x30a: {  	s5 =	sadd.s32 $0x10, s5;
	v2 =	vld.idx.msk [tilespmem:v2+s25+$0x0], $0xffff  }
0x30b: {  	v3 =	vld [tilespmem:s5+$0x0];
	_ =	sdelay $0x2  }
.Ltmp11:
0x30c: {  	(pc) =	sbr.rel @p0 .LBB2_24-.Ltmp11, $4  }
0x30d: {  	vm0 =	veq.s32 v1, $0x0  }
0x30e: {  	s6 =	sadd.s32 $0x10, s6;
	v1 =	vsel vm0, v3, v2  }
0x30f: {  	s8 =	sadd.s32 $0x10, s8;
	[tilespmem:s6+$0x0] =	vst v1  }
0x310: {  	s9 =	sadd.s32 $0x10, s9;
	v1 =	vld [tilespmem:s8+$0x0]  }
0x311: {  	_ =	sdelay $0x3  }
0x312: {  	v2 =	vadd.s32 $0xFFFFFFFF, v1  }
0x313: {  	v3 =	vmov s7;
	vm0 =	vgt.s32 v2, $0x0  }
0x314: {  	v4 =	vor.u32 s7, v0;
	v3 =	vshll.u32 v3, $0x3;
	v2 =	vnsel vm0, $0x0, v2  }
0x315: {  	v4 =	vand.u32 $0x7F, v4;
	v3 =	vand.u32 $0x1C00, v3;
	v5 =	vshll.u32 v2, $0xA  }
0x316: {  	v3 =	vor.u32 v3, v4;
	v2 =	vshll.u32 v2, $0x7;
	v5 =	vand.u32 $0xFFFFE000, v5  }
0x317: {  	v2 =	vand.u32 $0x380, v2;
	v3 =	vor.u32 v5, v3  }
0x318: {  	v2 =	vor.u32 v2, v3;
	_ =	sdelay $0x2  }
0x319: {  	s5 =	sadd.s32 $0x10, s5  }
0x31a: {  	v3 =	vld [tilespmem:s5+$0x0]  }
0x31b: {  	v2 =	vld.idx.msk [tilespmem:v2+s25+$0x0], $0xffff;
	_ =	sdelay $0x3  }
0x31c: {  	vm15 =	veq.s32 v1, $0x0  }
0x31d: {  	s9 =	sadd.s32 $0x10, s6;
	v1 =	vsel vm15, v3, v2  }
0x31e: {  	s4 =	sadd.s32 $0x1, s4;
	[tilespmem:s9+$0x0] =	vst v1  }
0x31f: {  	[hbm4b:s19+s1] =	stream.linear.scatter [tilespmem:s0], [sflag:$0x4], $0x400, $0x38;
	[tilespmem:$0x11800] =	vst v63  }
0x320: {  	p0 =	sne.s32 s4, s20;
	_ =	swait.ge [sflag:s2], $0x400  }
.Ltmp12:
0x321: {  	[sflag:s2] =	ssyncset.done $0x0;
	(pc) =	sbr.rel @p0 .LBB2_1-.Ltmp12, $4  }
0x322: {  	[sflag:s2] =	ssyncadd.s32 $0xFFFFFC00  }
0x323: {  	_ =	swait.ge [sflag:s3], $0x400  }
0x324: {  	[sflag:s3] =	ssyncset.done $0x0  }
0x325: {  	[sflag:s3] =	ssyncadd.s32 $0xFFFFFC00  }
0x326: {  	_ =	sfence.sel $0x180000  }
0x327: {  	[bflag:$0x0] =	sbarrier.arrive $0xFFFF  }
0x328: {  	_ =	strace $0x90000047  }
0x329: {  	s0 =	stileid.u32;
	[bflag:$0x2] =	sbarrier.arrive $0xFFFF  }
0x32a: {  	p0 =	sne.s32 s0, $0x0;
	s0 =	rddreg [dreg:$0x4]  }
0x32b: {  	s0 =	sadd.s32 @!p0 $0x100000, s0  }
0x32c: {  	[sflag:s0] =	ssyncadd.tile.s32 @!p0 $0x1;
	_ =	shalt  }
.Lfunc_end2:
_tile_overlayer_lowered:
.L_overlay_start_2:
0x32d: {  	(tag) =	ssettag $0x2  }
0x32e: {  	s0 =	rddreg [dreg:$0x0];
	s2 =	stileid.u32  }
0x32f: {  	s1 =	rddreg [dreg:$0x1];
	p0 =	sne.s32 s2, $0x0  }
0x330: {  	s3 =	rddreg [dreg:$0x2];
	[bflag:$0x3] =	sbarrier.arrive $0xFFFF;
	s2 =	simm.s32 @!p0 $0x1C05  }
0x331: {  	[timem:s3], [sflag:s2] =	dma.local @!p0 [hbm:s0], s1  }
0x332: {  	s0 =	simm.s32 @!p0 $0x5  }
0x333: {  	_ =	swait.ge @!p0 [sflag:s0], s1  }
0x334: {  	s1 =	ssub.s32 @!p0 $0x0, s1;
	[sflag:s0] =	ssyncset.done @!p0 $0x0  }
0x335: {  	[sflag:s0] =	ssyncadd.s32 @!p0 s1  }
0x336: {  	[bflag:$0x3] =	sbarrier.arrive $0xFFFF  }
0x337: {  	_ =	shalt  }

</sc_bundles>
